<compile_context>
chip_gen: v7x
topology: tpu7x:2x2x1
jax: 0.10.2.dev20260603
libtpu: 0.0.44.dev20260713+nightly
codegen_flags: <defaults>
</compile_context>

<pallas_src>
import functools

import jax
import jax.numpy as jnp
from jax import lax
from jax.experimental import pallas as pl
from jax.experimental.pallas import tpu as pltpu
from jax.experimental.pallas import tpu_sc as plsc

HIDDEN = 768
L = 16
NVEC = HIDDEN // L
NC, NS = 2, 16
NW = NC * NS
B = 4
SEQ = 2048
TOKENS = B * SEQ
PPW = SEQ // NW
C = 16
PB = PPW // C
NCHUNK = B * PB
NBUF = 2
RB = 8
EPS = 1e-10


_GATHER_DNUMS = lax.GatherDimensionNumbers(
    offset_dims=(), collapsed_slice_dims=(0,), start_index_map=(0,))


def _shuffle(x, perm):
    return lax.gather(x, perm, _GATHER_DNUMS, slice_sizes=(1,),
                      mode=lax.GatherScatterMode.PROMISE_IN_BOUNDS)


def _bcast_sum(x):
    lanes = lax.iota(jnp.int32, L)
    for k in (1, 2, 4, 8):
        perm = lax.reshape(lanes ^ k, (L, 1))
        x = x + _shuffle(x, perm)
    return x


def _rsqrt_vec(v):
    i = lax.bitcast_convert_type(v, jnp.int32)
    i = jnp.int32(0x5F3759DF) - lax.shift_right_logical(i, 1)
    y = lax.bitcast_convert_type(i, jnp.float32)
    for _ in range(3):
        y = y * (1.5 - 0.5 * v * y * y)
    return y


_mesh = plsc.VectorSubcoreMesh(core_axis_name="c", subcore_axis_name="s")


@functools.partial(
    pl.kernel,
    out_type=jax.ShapeDtypeStruct((TOKENS, HIDDEN), jnp.float32),
    mesh=_mesh,
    scratch_types=[
        pltpu.VMEM((B * PPW,), jnp.int32),
        pltpu.VMEM((NBUF * C, HIDDEN), jnp.float32),
        pltpu.VMEM((PPW, HIDDEN), jnp.float32),
        pltpu.VMEM((NBUF * C, HIDDEN), jnp.float32),
        pltpu.VMEM((HIDDEN,), jnp.float32),
        pltpu.VMEM((HIDDEN,), jnp.float32),
        pltpu.VMEM((HIDDEN,), jnp.float32),
        pltpu.SemaphoreType.DMA,
        pltpu.SemaphoreType.DMA,
        pltpu.SemaphoreType.DMA,
        pltpu.SemaphoreType.DMA,
        pltpu.SemaphoreType.DMA,
        pltpu.SemaphoreType.DMA,
        pltpu.SemaphoreType.DMA,
        pltpu.SemaphoreType.DMA,
    ],
)
def _emb_ln_kernel(ids_hbm, word_hbm, pos_hbm, type_hbm, gamma_hbm, beta_hbm,
                   out_hbm, idx_v, wbuf, pbuf, obuf, t_v, g_v, b_v,
                   gsem0, gsem1, gsem2, psem, isem, osem0, osem1, osem2):
    gsems = (gsem0, gsem1, gsem2)
    osems = (osem0, osem1, osem2)
    wid = lax.axis_index("s") * NC + lax.axis_index("c")
    s0 = wid * PPW

    pltpu.async_copy(pos_hbm.at[pl.ds(s0, PPW)], pbuf, psem)
    for b in range(B):
        pltpu.async_copy(ids_hbm.at[pl.ds(b * SEQ + s0, PPW)],
                         idx_v.at[pl.ds(b * PPW, PPW)], isem)
    pltpu.sync_copy(type_hbm, t_v)
    pltpu.sync_copy(gamma_hbm, g_v)
    pltpu.sync_copy(beta_hbm, b_v)
    pltpu.make_async_copy(ids_hbm.at[pl.ds(0, B * PPW)], idx_v, isem).wait()

    def start_gather(g, gsem):
        boff = lax.rem(g, NBUF) * C
        pltpu.async_copy(word_hbm.at[idx_v.at[pl.ds(g * C, C)]],
                         wbuf.at[pl.ds(boff, C)], gsem)

    for p in range(NBUF):
        start_gather(p, gsems[p])

    def wait_rows(n, dst, sem):
        pltpu.make_async_copy(pos_hbm.at[pl.ds(0, n)], dst, sem).wait()

    pltpu.make_async_copy(pos_hbm.at[pl.ds(0, PPW)], pbuf, psem).wait()

    def compute_block(boff, prow):
        zeros = tuple(jnp.zeros((L,), jnp.float32) for _ in range(2 * RB))

        @plsc.parallel_loop(0, HIDDEN, L, unroll=4, carry=zeros)
        def acc_body(o, c):
            sl = pl.ds(o, L)
            tv = t_v[sl]
            ws = [wbuf[boff + r, sl] for r in range(RB)]
            ps = [pbuf[prow + r, sl] for r in range(RB)]
            xs = [ws[r] + ps[r] + tv for r in range(RB)]
            for r in range(RB):
                wbuf[boff + r, sl] = xs[r]
            return (tuple(c[r] + xs[r] for r in range(RB)) +
                    tuple(c[RB + r] + xs[r] * xs[r] for r in range(RB)))

        accs = acc_body
        mean = [None] * RB
        inv = [None] * RB
        for r in range(RB):
            mean[r] = _bcast_sum(accs[r]) * (1.0 / HIDDEN)
            var = _bcast_sum(accs[RB + r]) * (1.0 / HIDDEN) - mean[r] * mean[r]
            inv[r] = _rsqrt_vec(var + EPS)

        @plsc.parallel_loop(0, HIDDEN, L, unroll=4)
        def norm_body(o):
            sl = pl.ds(o, L)
            gv = g_v[sl]
            bv = b_v[sl]
            xs = [wbuf[boff + r, sl] for r in range(RB)]
            ys = [(xs[r] - mean[r]) * inv[r] * gv + bv for r in range(RB)]
            for r in range(RB):
                obuf[boff + r, sl] = ys[r]

    def chunk_body(g, carry):
        slot = lax.rem(g, NBUF)
        boff = slot * C
        b = lax.div(g, PB)
        prow0 = (g - b * PB) * C
        out0 = b * SEQ + s0 + prow0

        for p in range(NBUF):
            @pl.when(slot == p)
            def _(p=p):
                wait_rows(C, wbuf.at[pl.ds(p * C, C)], gsems[p])

                @pl.when(g >= NBUF)
                def _():
                    wait_rows(C, obuf.at[pl.ds(p * C, C)], osems[p])

        def block_body(blk, carry2):
            compute_block(boff + blk * RB, prow0 + blk * RB)
            return carry2

        lax.fori_loop(0, C // RB, block_body, jnp.int32(0))

        for p in range(NBUF):
            @pl.when(slot == p)
            def _(p=p):
                pltpu.async_copy(obuf.at[pl.ds(p * C, C)],
                                 out_hbm.at[pl.ds(out0, C)], osems[p])

                @pl.when(g + NBUF < NCHUNK)
                def _():
                    start_gather(g + NBUF, gsems[p])

        return carry

    lax.fori_loop(0, NCHUNK, chunk_body, jnp.int32(0))

    for p in range(NBUF):
        wait_rows(C, obuf.at[pl.ds(p * C, C)], osems[p])


def kernel(input_ids, word_emb, pos_emb, type_emb, gamma, beta):
    ids = input_ids.reshape(-1).astype(jnp.int32)
    out = _emb_ln_kernel(ids, word_emb, pos_emb[:SEQ], type_emb[0],
                         gamma, beta)
    b, s = input_ids.shape
    return out.reshape(b, s, HIDDEN)

# --- scband reference (transcript-rebuilt; emitter-appended) ---
"""Pipeline reference for scband-trans-embedding-89026082111858 (READ-ONLY COPY).

The authoritative reference and input builder live on the scoring server;
editing this copy changes nothing except your own understanding.
"""

import jax, jax.numpy as jnp
import numpy as np

VOCAB = 100000
HIDDEN = 768
MAX_POS = 2048
TYPE_SIZE = 2
B, S = 4, 2048
EPS = 1e-10

def setup_inputs(seed: int = 0) -> dict:
    key = jax.random.key(seed)
    k1, k2, k3, k4 = jax.random.split(key, 4)
    input_ids = jax.random.randint(k1, (B, S), 0, VOCAB, dtype=jnp.int64 if jax.config.jax_enable_x64 else jnp.int32)
    word_emb = jax.random.normal(k2, (VOCAB, HIDDEN), dtype=jnp.float32) * 0.02
    pos_emb = jax.random.normal(k3, (MAX_POS, HIDDEN), dtype=jnp.float32) * 0.02
    type_emb = jax.random.normal(k4, (TYPE_SIZE, HIDDEN), dtype=jnp.float32) * 0.02
    gamma = jnp.ones((HIDDEN,), dtype=jnp.float32)
    beta = jnp.zeros((HIDDEN,), dtype=jnp.float32)
    return {"input_ids": input_ids, "word_emb": word_emb, "pos_emb": pos_emb, "type_emb": type_emb, "gamma": gamma, "beta": beta}

def reference(input_ids, word_emb, pos_emb, type_emb, gamma, beta):
    b, s = input_ids.shape
    # word embedding gather
    input_embeds = jnp.take(word_emb, input_ids, axis=0)
    # token_type_ids default to zeros
    token_type_ids = jnp.zeros((b, s), dtype=jnp.int32)
    token_type_embeddings = jnp.take(type_emb, token_type_ids, axis=0)
    # position_ids default to arange(seq_len)
    position_embeddings = pos_emb[:s][None, :, :]
    embeddings = input_embeds + token_type_embeddings + position_embeddings
    # LayerNorm (biased variance, matching torch nn.LayerNorm)
    mean = jnp.mean(embeddings, axis=-1, keepdims=True)
    var = jnp.mean(jnp.square(embeddings - mean), axis=-1, keepdims=True)
    normed = (embeddings - mean) / jnp.sqrt(var + EPS)
    out = normed * gamma + beta
    # dropout p=0.0 is identity
    return out

if __name__ == "__main__":
    import jax
    _d = setup_inputs()
    print(jax.jit(kernel)(*tuple(_d.values())))

</pallas_src>

<mosaic_0001>
#map = affine_map<(d0, d1) -> (0)>
#map1 = affine_map<(d0, d1) -> (0, 0)>
module attributes {stable_mosaic.version = 14 : i64} {
  func.func @_emb_ln_kernel(%arg0: i32, %arg1: i32, %arg2: memref<8192xi32, #tpu.memory_space<hbm>>, %arg3: memref<100000x768xf32, #tpu.memory_space<hbm>>, %arg4: memref<2048x768xf32, #tpu.memory_space<hbm>>, %arg5: memref<768xf32, #tpu.memory_space<hbm>>, %arg6: memref<768xf32, #tpu.memory_space<hbm>>, %arg7: memref<768xf32, #tpu.memory_space<hbm>>, %arg8: memref<8192x768xf32, #tpu.memory_space<hbm>>, %arg9: memref<256xi32, #tpu.memory_space<vmem>>, %arg10: memref<32x768xf32, #tpu.memory_space<vmem>>, %arg11: memref<64x768xf32, #tpu.memory_space<vmem>>, %arg12: memref<32x768xf32, #tpu.memory_space<vmem>>, %arg13: memref<768xf32, #tpu.memory_space<vmem>>, %arg14: memref<768xf32, #tpu.memory_space<vmem>>, %arg15: memref<768xf32, #tpu.memory_space<vmem>>, %arg16: memref<!tpu.dma_semaphore, #tpu.memory_space<semaphore_mem>>, %arg17: memref<!tpu.dma_semaphore, #tpu.memory_space<semaphore_mem>>, %arg18: memref<!tpu.dma_semaphore, #tpu.memory_space<semaphore_mem>>, %arg19: memref<!tpu.dma_semaphore, #tpu.memory_space<semaphore_mem>>, %arg20: memref<!tpu.dma_semaphore, #tpu.memory_space<semaphore_mem>>, %arg21: memref<!tpu.dma_semaphore, #tpu.memory_space<semaphore_mem>>, %arg22: memref<!tpu.dma_semaphore, #tpu.memory_space<semaphore_mem>>, %arg23: memref<!tpu.dma_semaphore, #tpu.memory_space<semaphore_mem>>) attributes {dimension_semantics = [#tpu.dimension_semantics<core_parallel>, #tpu.dimension_semantics<subcore_parallel>], iteration_bounds = array<i64: 2, 16>, scalar_prefetch = 0 : i64, scratch_operands = 15 : i64, tpu.core_type = #tpu.core_type<sc_vector_subcore>, window_params = [{transform_indices = #map}, {transform_indices = #map1}, {transform_indices = #map1}, {transform_indices = #map}, {transform_indices = #map}, {transform_indices = #map}, {transform_indices = #map1}]} {
    %mul3A = arith.constant 2 : i32
    %mul3A_0 = arith.muli %arg1, %mul3A : i32
    %add3A = arith.addi %mul3A_0, %arg0 : i32
    %mul3A_1 = arith.constant 64 : i32
    %mul3A_2 = arith.muli %add3A, %mul3A_1 : i32
    %dma_start3A = arith.constant 0 : i32
    %dma_start3A_3 = tpu.memref_slice %arg4[%mul3A_2, %dma_start3A] : memref<2048x768xf32, #tpu.memory_space<hbm>> -> memref<64x768xf32, #tpu.memory_space<hbm>>
    %dma_start3A_4 = arith.constant 0 : i32
    %dma_start3A_5 = tpu.memref_slice %arg4[%mul3A_2, %dma_start3A_4] : memref<2048x768xf32, #tpu.memory_space<hbm>> -> memref<64x768xf32, #tpu.memory_space<hbm>>
    tpu.enqueue_dma source(%dma_start3A_5 : memref<64x768xf32, #tpu.memory_space<hbm>>) target(%arg11 : memref<64x768xf32, #tpu.memory_space<vmem>>) target_semaphore(%arg19 : memref<!tpu.dma_semaphore, #tpu.memory_space<semaphore_mem>>)
    %add3A_6 = arith.constant 0 : i32
    %add3A_7 = arith.addi %add3A_6, %mul3A_2 : i32
    %dma_start3A_8 = arith.constant 0 : i32
    %dma_start3A_9 = tpu.memref_slice %arg9[%dma_start3A_8] : memref<256xi32, #tpu.memory_space<vmem>> -> memref<64xi32, #tpu.memory_space<vmem>>
    %dma_start3A_10 = tpu.memref_slice %arg2[%add3A_7] : memref<8192xi32, #tpu.memory_space<hbm>> -> memref<64xi32, #tpu.memory_space<hbm>>
    %dma_start3A_11 = arith.constant 0 : i32
    %dma_start3A_12 = tpu.memref_slice %arg9[%dma_start3A_11] : memref<256xi32, #tpu.memory_space<vmem>> -> memref<64xi32, #tpu.memory_space<vmem>>
    %dma_start3A_13 = tpu.memref_slice %arg2[%add3A_7] : memref<8192xi32, #tpu.memory_space<hbm>> -> memref<64xi32, #tpu.memory_space<hbm>>
    tpu.enqueue_dma source(%dma_start3A_13 : memref<64xi32, #tpu.memory_space<hbm>>) target(%dma_start3A_12 : memref<64xi32, #tpu.memory_space<vmem>>) target_semaphore(%arg20 : memref<!tpu.dma_semaphore, #tpu.memory_space<semaphore_mem>>)
    %add3A_14 = arith.constant 2048 : i32
    %add3A_15 = arith.addi %add3A_14, %mul3A_2 : i32
    %dma_start3A_16 = arith.constant 64 : i32
    %dma_start3A_17 = tpu.memref_slice %arg9[%dma_start3A_16] : memref<256xi32, #tpu.memory_space<vmem>> -> memref<64xi32, #tpu.memory_space<vmem>>
    %dma_start3A_18 = tpu.memref_slice %arg2[%add3A_15] : memref<8192xi32, #tpu.memory_space<hbm>> -> memref<64xi32, #tpu.memory_space<hbm>>
    %dma_start3A_19 = arith.constant 64 : i32
    %dma_start3A_20 = tpu.memref_slice %arg9[%dma_start3A_19] : memref<256xi32, #tpu.memory_space<vmem>> -> memref<64xi32, #tpu.memory_space<vmem>>
    %dma_start3A_21 = tpu.memref_slice %arg2[%add3A_15] : memref<8192xi32, #tpu.memory_space<hbm>> -> memref<64xi32, #tpu.memory_space<hbm>>
    tpu.enqueue_dma source(%dma_start3A_21 : memref<64xi32, #tpu.memory_space<hbm>>) target(%dma_start3A_20 : memref<64xi32, #tpu.memory_space<vmem>>) target_semaphore(%arg20 : memref<!tpu.dma_semaphore, #tpu.memory_space<semaphore_mem>>)
    %add3A_22 = arith.constant 4096 : i32
    %add3A_23 = arith.addi %add3A_22, %mul3A_2 : i32
    %dma_start3A_24 = arith.constant 128 : i32
    %dma_start3A_25 = tpu.memref_slice %arg9[%dma_start3A_24] : memref<256xi32, #tpu.memory_space<vmem>> -> memref<64xi32, #tpu.memory_space<vmem>>
    %dma_start3A_26 = tpu.memref_slice %arg2[%add3A_23] : memref<8192xi32, #tpu.memory_space<hbm>> -> memref<64xi32, #tpu.memory_space<hbm>>
    %dma_start3A_27 = arith.constant 128 : i32
    %dma_start3A_28 = tpu.memref_slice %arg9[%dma_start3A_27] : memref<256xi32, #tpu.memory_space<vmem>> -> memref<64xi32, #tpu.memory_space<vmem>>
    %dma_start3A_29 = tpu.memref_slice %arg2[%add3A_23] : memref<8192xi32, #tpu.memory_space<hbm>> -> memref<64xi32, #tpu.memory_space<hbm>>
    tpu.enqueue_dma source(%dma_start3A_29 : memref<64xi32, #tpu.memory_space<hbm>>) target(%dma_start3A_28 : memref<64xi32, #tpu.memory_space<vmem>>) target_semaphore(%arg20 : memref<!tpu.dma_semaphore, #tpu.memory_space<semaphore_mem>>)
    %add3A_30 = arith.constant 6144 : i32
    %add3A_31 = arith.addi %add3A_30, %mul3A_2 : i32
    %dma_start3A_32 = arith.constant 192 : i32
    %dma_start3A_33 = tpu.memref_slice %arg9[%dma_start3A_32] : memref<256xi32, #tpu.memory_space<vmem>> -> memref<64xi32, #tpu.memory_space<vmem>>
    %dma_start3A_34 = tpu.memref_slice %arg2[%add3A_31] : memref<8192xi32, #tpu.memory_space<hbm>> -> memref<64xi32, #tpu.memory_space<hbm>>
    %dma_start3A_35 = arith.constant 192 : i32
    %dma_start3A_36 = tpu.memref_slice %arg9[%dma_start3A_35] : memref<256xi32, #tpu.memory_space<vmem>> -> memref<64xi32, #tpu.memory_space<vmem>>
    %dma_start3A_37 = tpu.memref_slice %arg2[%add3A_31] : memref<8192xi32, #tpu.memory_space<hbm>> -> memref<64xi32, #tpu.memory_space<hbm>>
    tpu.enqueue_dma source(%dma_start3A_37 : memref<64xi32, #tpu.memory_space<hbm>>) target(%dma_start3A_36 : memref<64xi32, #tpu.memory_space<vmem>>) target_semaphore(%arg20 : memref<!tpu.dma_semaphore, #tpu.memory_space<semaphore_mem>>)
    "tpu.region"() ({
      %run_scoped3A = tpu.sem_alloc : memref<!tpu.dma_semaphore, #tpu.memory_space<semaphore_mem>>
      tpu.enqueue_dma source(%arg5 : memref<768xf32, #tpu.memory_space<hbm>>) target(%arg13 : memref<768xf32, #tpu.memory_space<vmem>>) target_semaphore(%run_scoped3A : memref<!tpu.dma_semaphore, #tpu.memory_space<semaphore_mem>>)
      tpu.wait_dma2 semaphore(%run_scoped3A : memref<!tpu.dma_semaphore, #tpu.memory_space<semaphore_mem>>) src(%arg5 : memref<768xf32, #tpu.memory_space<hbm>>) dst(%arg13 : memref<768xf32, #tpu.memory_space<vmem>>)
      tpu.yield
    }) : () -> ()
    "tpu.region"() ({
      %run_scoped3A = tpu.sem_alloc : memref<!tpu.dma_semaphore, #tpu.memory_space<semaphore_mem>>
      tpu.enqueue_dma source(%arg6 : memref<768xf32, #tpu.memory_space<hbm>>) target(%arg14 : memref<768xf32, #tpu.memory_space<vmem>>) target_semaphore(%run_scoped3A : memref<!tpu.dma_semaphore, #tpu.memory_space<semaphore_mem>>)
      tpu.wait_dma2 semaphore(%run_scoped3A : memref<!tpu.dma_semaphore, #tpu.memory_space<semaphore_mem>>) src(%arg6 : memref<768xf32, #tpu.memory_space<hbm>>) dst(%arg14 : memref<768xf32, #tpu.memory_space<vmem>>)
      tpu.yield
    }) : () -> ()
    "tpu.region"() ({
      %run_scoped3A = tpu.sem_alloc : memref<!tpu.dma_semaphore, #tpu.memory_space<semaphore_mem>>
      tpu.enqueue_dma source(%arg7 : memref<768xf32, #tpu.memory_space<hbm>>) target(%arg15 : memref<768xf32, #tpu.memory_space<vmem>>) target_semaphore(%run_scoped3A : memref<!tpu.dma_semaphore, #tpu.memory_space<semaphore_mem>>)
      tpu.wait_dma2 semaphore(%run_scoped3A : memref<!tpu.dma_semaphore, #tpu.memory_space<semaphore_mem>>) src(%arg7 : memref<768xf32, #tpu.memory_space<hbm>>) dst(%arg15 : memref<768xf32, #tpu.memory_space<vmem>>)
      tpu.yield
    }) : () -> ()
    %dma_wait3A = arith.constant 0 : i32
    %dma_wait3A_38 = tpu.memref_slice %arg2[%dma_wait3A] : memref<8192xi32, #tpu.memory_space<hbm>> -> memref<256xi32, #tpu.memory_space<hbm>>
    %dma_wait3A_39 = arith.constant 0 : i32
    %dma_wait3A_40 = tpu.memref_slice %arg2[%dma_wait3A_39] : memref<8192xi32, #tpu.memory_space<hbm>> -> memref<256xi32, #tpu.memory_space<hbm>>
    tpu.wait_dma2 semaphore(%arg20 : memref<!tpu.dma_semaphore, #tpu.memory_space<semaphore_mem>>) src(%dma_wait3A_40 : memref<256xi32, #tpu.memory_space<hbm>>) dst(%arg9 : memref<256xi32, #tpu.memory_space<vmem>>)
    %rem3A = arith.constant 0 : i32
    %rem3A_41 = arith.constant 2 : i32
    %rem3A_42 = arith.remsi %rem3A, %rem3A_41 : i32
    %mul3A_43 = arith.constant 16 : i32
    %mul3A_44 = arith.muli %rem3A_42, %mul3A_43 : i32
    %dma_start3A_45 = arith.constant 0 : i32
    %dma_start3A_46 = tpu.memref_slice %arg10[%mul3A_44, %dma_start3A_45] : memref<32x768xf32, #tpu.memory_space<vmem>> -> memref<16x768xf32, #tpu.memory_space<vmem>>
    %dma_start3A_47 = arith.constant 0 : i32
    %dma_start3A_48 = tpu.memref_slice %arg9[%dma_start3A_47] : memref<256xi32, #tpu.memory_space<vmem>> -> memref<16xi32, #tpu.memory_space<vmem>>
    %dma_start3A_49 = arith.constant 0 : i32
    %dma_start3A_50 = arith.constant 0 : i32
    %dma_start3A_51 = tpu.memref_slice %arg3[%dma_start3A_49, %dma_start3A_50] : memref<100000x768xf32, #tpu.memory_space<hbm>> -> memref<100000x768xf32, #tpu.memory_space<hbm>>
    tpu.enqueue_indirect_dma source(%dma_start3A_51 : memref<100000x768xf32, #tpu.memory_space<hbm>>) target(%dma_start3A_46 : memref<16x768xf32, #tpu.memory_space<vmem>>) offsets(%dma_start3A_48 : memref<16xi32, #tpu.memory_space<vmem>>) semaphore(%arg16 : memref<!tpu.dma_semaphore, #tpu.memory_space<semaphore_mem>>)
    %rem3A_52 = arith.constant 1 : i32
    %rem3A_53 = arith.constant 2 : i32
    %rem3A_54 = arith.remsi %rem3A_52, %rem3A_53 : i32
    %mul3A_55 = arith.constant 16 : i32
    %mul3A_56 = arith.muli %rem3A_54, %mul3A_55 : i32
    %dma_start3A_57 = arith.constant 0 : i32
    %dma_start3A_58 = tpu.memref_slice %arg10[%mul3A_56, %dma_start3A_57] : memref<32x768xf32, #tpu.memory_space<vmem>> -> memref<16x768xf32, #tpu.memory_space<vmem>>
    %dma_start3A_59 = arith.constant 16 : i32
    %dma_start3A_60 = tpu.memref_slice %arg9[%dma_start3A_59] : memref<256xi32, #tpu.memory_space<vmem>> -> memref<16xi32, #tpu.memory_space<vmem>>
    %dma_start3A_61 = arith.constant 0 : i32
    %dma_start3A_62 = arith.constant 0 : i32
    %dma_start3A_63 = tpu.memref_slice %arg3[%dma_start3A_61, %dma_start3A_62] : memref<100000x768xf32, #tpu.memory_space<hbm>> -> memref<100000x768xf32, #tpu.memory_space<hbm>>
    tpu.enqueue_indirect_dma source(%dma_start3A_63 : memref<100000x768xf32, #tpu.memory_space<hbm>>) target(%dma_start3A_58 : memref<16x768xf32, #tpu.memory_space<vmem>>) offsets(%dma_start3A_60 : memref<16xi32, #tpu.memory_space<vmem>>) semaphore(%arg17 : memref<!tpu.dma_semaphore, #tpu.memory_space<semaphore_mem>>)
    %dma_wait3A_64 = arith.constant 0 : i32
    %dma_wait3A_65 = arith.constant 0 : i32
    %dma_wait3A_66 = tpu.memref_slice %arg4[%dma_wait3A_64, %dma_wait3A_65] : memref<2048x768xf32, #tpu.memory_space<hbm>> -> memref<64x768xf32, #tpu.memory_space<hbm>>
    %dma_wait3A_67 = arith.constant 0 : i32
    %dma_wait3A_68 = arith.constant 0 : i32
    %dma_wait3A_69 = tpu.memref_slice %arg4[%dma_wait3A_67, %dma_wait3A_68] : memref<2048x768xf32, #tpu.memory_space<hbm>> -> memref<64x768xf32, #tpu.memory_space<hbm>>
    tpu.wait_dma2 semaphore(%arg19 : memref<!tpu.dma_semaphore, #tpu.memory_space<semaphore_mem>>) src(%dma_wait3A_69 : memref<64x768xf32, #tpu.memory_space<hbm>>) dst(%arg11 : memref<64x768xf32, #tpu.memory_space<vmem>>)
    %scan3A = arith.constant 0 : i32
    %scan3A_70 = arith.constant 0 : i32
    %scan3A_71 = arith.constant 16 : i32
    %scan3A_72 = arith.addi %scan3A_70, %scan3A_71 : i32
    %scan3A_73 = arith.constant 1 : i32
    scf.for %scan3A_99 = %scan3A_70 to %scan3A_72 step %scan3A_73  : i32 {
      %rem3A_100 = arith.constant 2 : i32
      %rem3A_101 = arith.remsi %scan3A_99, %rem3A_100 : i32
      %mul3A_102 = arith.constant 16 : i32
      %mul3A_103 = arith.muli %rem3A_101, %mul3A_102 : i32
      %div3A = arith.constant 4 : i32
      %div3A_104 = arith.divsi %scan3A_99, %div3A : i32
      %mul3A_105 = arith.constant 4 : i32
      %mul3A_106 = arith.muli %div3A_104, %mul3A_105 : i32
      %sub3A = arith.subi %scan3A_99, %mul3A_106 : i32
      %mul3A_107 = arith.constant 16 : i32
      %mul3A_108 = arith.muli %sub3A, %mul3A_107 : i32
      %mul3A_109 = arith.constant 2048 : i32
      %mul3A_110 = arith.muli %div3A_104, %mul3A_109 : i32
      %add3A_111 = arith.addi %mul3A_110, %mul3A_2 : i32
      %add3A_112 = arith.addi %add3A_111, %mul3A_108 : i32
      %eq3A = arith.constant 0 : i32
      %eq3A_113 = arith.cmpi eq, %rem3A_101, %eq3A : i32
      %convert_element_type3A = arith.extui %eq3A_113 : i1 to i32
      %cond3A = arith.constant 0 : i32
      %cond3A_114 = arith.cmpi ne, %convert_element_type3A, %cond3A : i32
      scf.if %cond3A_114 {
        %dma_wait3A_136 = arith.constant 0 : i32
        %dma_wait3A_137 = arith.constant 0 : i32
        %dma_wait3A_138 = tpu.memref_slice %arg10[%dma_wait3A_136, %dma_wait3A_137] : memref<32x768xf32, #tpu.memory_space<vmem>> -> memref<16x768xf32, #tpu.memory_space<vmem>>
        %dma_wait3A_139 = arith.constant 0 : i32
        %dma_wait3A_140 = arith.constant 0 : i32
        %dma_wait3A_141 = tpu.memref_slice %arg4[%dma_wait3A_139, %dma_wait3A_140] : memref<2048x768xf32, #tpu.memory_space<hbm>> -> memref<16x768xf32, #tpu.memory_space<hbm>>
        %dma_wait3A_142 = arith.constant 0 : i32
        %dma_wait3A_143 = arith.constant 0 : i32
        %dma_wait3A_144 = tpu.memref_slice %arg10[%dma_wait3A_142, %dma_wait3A_143] : memref<32x768xf32, #tpu.memory_space<vmem>> -> memref<16x768xf32, #tpu.memory_space<vmem>>
        %dma_wait3A_145 = arith.constant 0 : i32
        %dma_wait3A_146 = arith.constant 0 : i32
        %dma_wait3A_147 = tpu.memref_slice %arg4[%dma_wait3A_145, %dma_wait3A_146] : memref<2048x768xf32, #tpu.memory_space<hbm>> -> memref<16x768xf32, #tpu.memory_space<hbm>>
        tpu.wait_dma2 semaphore(%arg16 : memref<!tpu.dma_semaphore, #tpu.memory_space<semaphore_mem>>) src(%dma_wait3A_147 : memref<16x768xf32, #tpu.memory_space<hbm>>) dst(%dma_wait3A_144 : memref<16x768xf32, #tpu.memory_space<vmem>>)
        %ge3A = arith.constant 2 : i32
        %ge3A_148 = arith.cmpi sge, %scan3A_99, %ge3A : i32
        %convert_element_type3A_149 = arith.extui %ge3A_148 : i1 to i32
        %cond3A_150 = arith.constant 0 : i32
        %cond3A_151 = arith.cmpi ne, %convert_element_type3A_149, %cond3A_150 : i32
        scf.if %cond3A_151 {
          %dma_wait3A_152 = arith.constant 0 : i32
          %dma_wait3A_153 = arith.constant 0 : i32
          %dma_wait3A_154 = tpu.memref_slice %arg12[%dma_wait3A_152, %dma_wait3A_153] : memref<32x768xf32, #tpu.memory_space<vmem>> -> memref<16x768xf32, #tpu.memory_space<vmem>>
          %dma_wait3A_155 = arith.constant 0 : i32
          %dma_wait3A_156 = arith.constant 0 : i32
          %dma_wait3A_157 = tpu.memref_slice %arg4[%dma_wait3A_155, %dma_wait3A_156] : memref<2048x768xf32, #tpu.memory_space<hbm>> -> memref<16x768xf32, #tpu.memory_space<hbm>>
          %dma_wait3A_158 = arith.constant 0 : i32
          %dma_wait3A_159 = arith.constant 0 : i32
          %dma_wait3A_160 = tpu.memref_slice %arg12[%dma_wait3A_158, %dma_wait3A_159] : memref<32x768xf32, #tpu.memory_space<vmem>> -> memref<16x768xf32, #tpu.memory_space<vmem>>
          %dma_wait3A_161 = arith.constant 0 : i32
          %dma_wait3A_162 = arith.constant 0 : i32
          %dma_wait3A_163 = tpu.memref_slice %arg4[%dma_wait3A_161, %dma_wait3A_162] : memref<2048x768xf32, #tpu.memory_space<hbm>> -> memref<16x768xf32, #tpu.memory_space<hbm>>
          tpu.wait_dma2 semaphore(%arg21 : memref<!tpu.dma_semaphore, #tpu.memory_space<semaphore_mem>>) src(%dma_wait3A_163 : memref<16x768xf32, #tpu.memory_space<hbm>>) dst(%dma_wait3A_160 : memref<16x768xf32, #tpu.memory_space<vmem>>)
        } else {
        }
      } else {
      }
      %eq3A_115 = arith.constant 1 : i32
      %eq3A_116 = arith.cmpi eq, %rem3A_101, %eq3A_115 : i32
      %convert_element_type3A_117 = arith.extui %eq3A_116 : i1 to i32
      %cond3A_118 = arith.constant 0 : i32
      %cond3A_119 = arith.cmpi ne, %convert_element_type3A_117, %cond3A_118 : i32
      scf.if %cond3A_119 {
        %dma_wait3A_136 = arith.constant 16 : i32
        %dma_wait3A_137 = arith.constant 0 : i32
        %dma_wait3A_138 = tpu.memref_slice %arg10[%dma_wait3A_136, %dma_wait3A_137] : memref<32x768xf32, #tpu.memory_space<vmem>> -> memref<16x768xf32, #tpu.memory_space<vmem>>
        %dma_wait3A_139 = arith.constant 0 : i32
        %dma_wait3A_140 = arith.constant 0 : i32
        %dma_wait3A_141 = tpu.memref_slice %arg4[%dma_wait3A_139, %dma_wait3A_140] : memref<2048x768xf32, #tpu.memory_space<hbm>> -> memref<16x768xf32, #tpu.memory_space<hbm>>
        %dma_wait3A_142 = arith.constant 16 : i32
        %dma_wait3A_143 = arith.constant 0 : i32
        %dma_wait3A_144 = tpu.memref_slice %arg10[%dma_wait3A_142, %dma_wait3A_143] : memref<32x768xf32, #tpu.memory_space<vmem>> -> memref<16x768xf32, #tpu.memory_space<vmem>>
        %dma_wait3A_145 = arith.constant 0 : i32
        %dma_wait3A_146 = arith.constant 0 : i32
        %dma_wait3A_147 = tpu.memref_slice %arg4[%dma_wait3A_145, %dma_wait3A_146] : memref<2048x768xf32, #tpu.memory_space<hbm>> -> memref<16x768xf32, #tpu.memory_space<hbm>>
        tpu.wait_dma2 semaphore(%arg17 : memref<!tpu.dma_semaphore, #tpu.memory_space<semaphore_mem>>) src(%dma_wait3A_147 : memref<16x768xf32, #tpu.memory_space<hbm>>) dst(%dma_wait3A_144 : memref<16x768xf32, #tpu.memory_space<vmem>>)
        %ge3A = arith.constant 2 : i32
        %ge3A_148 = arith.cmpi sge, %scan3A_99, %ge3A : i32
        %convert_element_type3A_149 = arith.extui %ge3A_148 : i1 to i32
        %cond3A_150 = arith.constant 0 : i32
        %cond3A_151 = arith.cmpi ne, %convert_element_type3A_149, %cond3A_150 : i32
        scf.if %cond3A_151 {
          %dma_wait3A_152 = arith.constant 16 : i32
          %dma_wait3A_153 = arith.constant 0 : i32
          %dma_wait3A_154 = tpu.memref_slice %arg12[%dma_wait3A_152, %dma_wait3A_153] : memref<32x768xf32, #tpu.memory_space<vmem>> -> memref<16x768xf32, #tpu.memory_space<vmem>>
          %dma_wait3A_155 = arith.constant 0 : i32
          %dma_wait3A_156 = arith.constant 0 : i32
          %dma_wait3A_157 = tpu.memref_slice %arg4[%dma_wait3A_155, %dma_wait3A_156] : memref<2048x768xf32, #tpu.memory_space<hbm>> -> memref<16x768xf32, #tpu.memory_space<hbm>>
          %dma_wait3A_158 = arith.constant 16 : i32
          %dma_wait3A_159 = arith.constant 0 : i32
          %dma_wait3A_160 = tpu.memref_slice %arg12[%dma_wait3A_158, %dma_wait3A_159] : memref<32x768xf32, #tpu.memory_space<vmem>> -> memref<16x768xf32, #tpu.memory_space<vmem>>
          %dma_wait3A_161 = arith.constant 0 : i32
          %dma_wait3A_162 = arith.constant 0 : i32
          %dma_wait3A_163 = tpu.memref_slice %arg4[%dma_wait3A_161, %dma_wait3A_162] : memref<2048x768xf32, #tpu.memory_space<hbm>> -> memref<16x768xf32, #tpu.memory_space<hbm>>
          tpu.wait_dma2 semaphore(%arg22 : memref<!tpu.dma_semaphore, #tpu.memory_space<semaphore_mem>>) src(%dma_wait3A_163 : memref<16x768xf32, #tpu.memory_space<hbm>>) dst(%dma_wait3A_160 : memref<16x768xf32, #tpu.memory_space<vmem>>)
        } else {
        }
      } else {
      }
      %scan3A_120 = arith.constant 0 : i32
      %scan3A_121 = arith.constant 0 : i32
      %scan3A_122 = arith.constant 2 : i32
      %scan3A_123 = arith.addi %scan3A_121, %scan3A_122 : i32
      %scan3A_124 = arith.constant 1 : i32
      scf.for %scan3A_136 = %scan3A_121 to %scan3A_123 step %scan3A_124  : i32 {
        %mul3A_137 = arith.constant 8 : i32
        %mul3A_138 = arith.muli %scan3A_136, %mul3A_137 : i32
        %add3A_139 = arith.addi %mul3A_103, %mul3A_138 : i32
        %mul3A_140 = arith.constant 8 : i32
        %mul3A_141 = arith.muli %scan3A_136, %mul3A_140 : i32
        %add3A_142 = arith.addi %mul3A_108, %mul3A_141 : i32
        %broadcast_in_dim3A = arith.constant 0.000000e+00 : f32
        %broadcast_in_dim3A_143 = vector.broadcast %broadcast_in_dim3A : f32 to vector<16xf32>
        %broadcast_in_dim3A_144 = arith.constant 0.000000e+00 : f32
        %broadcast_in_dim3A_145 = vector.broadcast %broadcast_in_dim3A_144 : f32 to vector<16xf32>
        %broadcast_in_dim3A_146 = arith.constant 0.000000e+00 : f32
        %broadcast_in_dim3A_147 = vector.broadcast %broadcast_in_dim3A_146 : f32 to vector<16xf32>
        %broadcast_in_dim3A_148 = arith.constant 0.000000e+00 : f32
        %broadcast_in_dim3A_149 = vector.broadcast %broadcast_in_dim3A_148 : f32 to vector<16xf32>
        %broadcast_in_dim3A_150 = arith.constant 0.000000e+00 : f32
        %broadcast_in_dim3A_151 = vector.broadcast %broadcast_in_dim3A_150 : f32 to vector<16xf32>
        %broadcast_in_dim3A_152 = arith.constant 0.000000e+00 : f32
        %broadcast_in_dim3A_153 = vector.broadcast %broadcast_in_dim3A_152 : f32 to vector<16xf32>
        %broadcast_in_dim3A_154 = arith.constant 0.000000e+00 : f32
        %broadcast_in_dim3A_155 = vector.broadcast %broadcast_in_dim3A_154 : f32 to vector<16xf32>
        %broadcast_in_dim3A_156 = arith.constant 0.000000e+00 : f32
        %broadcast_in_dim3A_157 = vector.broadcast %broadcast_in_dim3A_156 : f32 to vector<16xf32>
        %broadcast_in_dim3A_158 = arith.constant 0.000000e+00 : f32
        %broadcast_in_dim3A_159 = vector.broadcast %broadcast_in_dim3A_158 : f32 to vector<16xf32>
        %broadcast_in_dim3A_160 = arith.constant 0.000000e+00 : f32
        %broadcast_in_dim3A_161 = vector.broadcast %broadcast_in_dim3A_160 : f32 to vector<16xf32>
        %broadcast_in_dim3A_162 = arith.constant 0.000000e+00 : f32
        %broadcast_in_dim3A_163 = vector.broadcast %broadcast_in_dim3A_162 : f32 to vector<16xf32>
        %broadcast_in_dim3A_164 = arith.constant 0.000000e+00 : f32
        %broadcast_in_dim3A_165 = vector.broadcast %broadcast_in_dim3A_164 : f32 to vector<16xf32>
        %broadcast_in_dim3A_166 = arith.constant 0.000000e+00 : f32
        %broadcast_in_dim3A_167 = vector.broadcast %broadcast_in_dim3A_166 : f32 to vector<16xf32>
        %broadcast_in_dim3A_168 = arith.constant 0.000000e+00 : f32
        %broadcast_in_dim3A_169 = vector.broadcast %broadcast_in_dim3A_168 : f32 to vector<16xf32>
        %broadcast_in_dim3A_170 = arith.constant 0.000000e+00 : f32
        %broadcast_in_dim3A_171 = vector.broadcast %broadcast_in_dim3A_170 : f32 to vector<16xf32>
        %broadcast_in_dim3A_172 = arith.constant 0.000000e+00 : f32
        %broadcast_in_dim3A_173 = vector.broadcast %broadcast_in_dim3A_172 : f32 to vector<16xf32>
        %parallel_loop3A = arith.constant 0 : i32
        %parallel_loop3A_174 = arith.constant 768 : i32
        %parallel_loop3A_175 = arith.constant 16 : i32
        %parallel_loop3A_176:16 = scf.for %parallel_loop3A_1006 = %parallel_loop3A to %parallel_loop3A_174 step %parallel_loop3A_175 iter_args(%parallel_loop3A_1007 = %broadcast_in_dim3A_143, %parallel_loop3A_1008 = %broadcast_in_dim3A_145, %parallel_loop3A_1009 = %broadcast_in_dim3A_147, %parallel_loop3A_1010 = %broadcast_in_dim3A_149, %parallel_loop3A_1011 = %broadcast_in_dim3A_151, %parallel_loop3A_1012 = %broadcast_in_dim3A_153, %parallel_loop3A_1013 = %broadcast_in_dim3A_155, %parallel_loop3A_1014 = %broadcast_in_dim3A_157, %parallel_loop3A_1015 = %broadcast_in_dim3A_159, %parallel_loop3A_1016 = %broadcast_in_dim3A_161, %parallel_loop3A_1017 = %broadcast_in_dim3A_163, %parallel_loop3A_1018 = %broadcast_in_dim3A_165, %parallel_loop3A_1019 = %broadcast_in_dim3A_167, %parallel_loop3A_1020 = %broadcast_in_dim3A_169, %parallel_loop3A_1021 = %broadcast_in_dim3A_171, %parallel_loop3A_1022 = %broadcast_in_dim3A_173) -> (vector<16xf32>, vector<16xf32>, vector<16xf32>, vector<16xf32>, vector<16xf32>, vector<16xf32>, vector<16xf32>, vector<16xf32>, vector<16xf32>, vector<16xf32>, vector<16xf32>, vector<16xf32>, vector<16xf32>, vector<16xf32>, vector<16xf32>, vector<16xf32>)  : i32 {
          %parallel_loop3A_1023 = arith.index_cast %parallel_loop3A_1006 : i32 to index
          %parallel_loop3A_1024 = tpu.vector_load %arg13[%parallel_loop3A_1023] {strides = array<i32>} : memref<768xf32, #tpu.memory_space<vmem>>, vector<16xf32>,
          %parallel_loop3A_1025 = vector.shape_cast %parallel_loop3A_1024 : vector<16xf32> to vector<16xf32>
          %parallel_loop3A_1026 = arith.constant 0 : i32
          %parallel_loop3A_1027 = arith.addi %add3A_139, %parallel_loop3A_1026 : i32
          %parallel_loop3A_1028 = arith.index_cast %parallel_loop3A_1027 : i32 to index
          %parallel_loop3A_1029 = arith.index_cast %parallel_loop3A_1006 : i32 to index
          %parallel_loop3A_1030 = tpu.vector_load %arg10[%parallel_loop3A_1028, %parallel_loop3A_1029] {strides = array<i32>} : memref<32x768xf32, #tpu.memory_space<vmem>>, vector<1x16xf32>,
          %parallel_loop3A_1031 = vector.shape_cast %parallel_loop3A_1030 : vector<1x16xf32> to vector<16xf32>
          %parallel_loop3A_1032 = arith.constant 1 : i32
          %parallel_loop3A_1033 = arith.addi %add3A_139, %parallel_loop3A_1032 : i32
          %parallel_loop3A_1034 = arith.index_cast %parallel_loop3A_1033 : i32 to index
          %parallel_loop3A_1035 = arith.index_cast %parallel_loop3A_1006 : i32 to index
          %parallel_loop3A_1036 = tpu.vector_load %arg10[%parallel_loop3A_1034, %parallel_loop3A_1035] {strides = array<i32>} : memref<32x768xf32, #tpu.memory_space<vmem>>, vector<1x16xf32>,
          %parallel_loop3A_1037 = vector.shape_cast %parallel_loop3A_1036 : vector<1x16xf32> to vector<16xf32>
          %parallel_loop3A_1038 = arith.constant 2 : i32
          %parallel_loop3A_1039 = arith.addi %add3A_139, %parallel_loop3A_1038 : i32
          %parallel_loop3A_1040 = arith.index_cast %parallel_loop3A_1039 : i32 to index
          %parallel_loop3A_1041 = arith.index_cast %parallel_loop3A_1006 : i32 to index
          %parallel_loop3A_1042 = tpu.vector_load %arg10[%parallel_loop3A_1040, %parallel_loop3A_1041] {strides = array<i32>} : memref<32x768xf32, #tpu.memory_space<vmem>>, vector<1x16xf32>,
          %parallel_loop3A_1043 = vector.shape_cast %parallel_loop3A_1042 : vector<1x16xf32> to vector<16xf32>
          %parallel_loop3A_1044 = arith.constant 3 : i32
          %parallel_loop3A_1045 = arith.addi %add3A_139, %parallel_loop3A_1044 : i32
          %parallel_loop3A_1046 = arith.index_cast %parallel_loop3A_1045 : i32 to index
          %parallel_loop3A_1047 = arith.index_cast %parallel_loop3A_1006 : i32 to index
          %parallel_loop3A_1048 = tpu.vector_load %arg10[%parallel_loop3A_1046, %parallel_loop3A_1047] {strides = array<i32>} : memref<32x768xf32, #tpu.memory_space<vmem>>, vector<1x16xf32>,
          %parallel_loop3A_1049 = vector.shape_cast %parallel_loop3A_1048 : vector<1x16xf32> to vector<16xf32>
          %parallel_loop3A_1050 = arith.constant 4 : i32
          %parallel_loop3A_1051 = arith.addi %add3A_139, %parallel_loop3A_1050 : i32
          %parallel_loop3A_1052 = arith.index_cast %parallel_loop3A_1051 : i32 to index
          %parallel_loop3A_1053 = arith.index_cast %parallel_loop3A_1006 : i32 to index
          %parallel_loop3A_1054 = tpu.vector_load %arg10[%parallel_loop3A_1052, %parallel_loop3A_1053] {strides = array<i32>} : memref<32x768xf32, #tpu.memory_space<vmem>>, vector<1x16xf32>,
          %parallel_loop3A_1055 = vector.shape_cast %parallel_loop3A_1054 : vector<1x16xf32> to vector<16xf32>
          %parallel_loop3A_1056 = arith.constant 5 : i32
          %parallel_loop3A_1057 = arith.addi %add3A_139, %parallel_loop3A_1056 : i32
          %parallel_loop3A_1058 = arith.index_cast %parallel_loop3A_1057 : i32 to index
          %parallel_loop3A_1059 = arith.index_cast %parallel_loop3A_1006 : i32 to index
          %parallel_loop3A_1060 = tpu.vector_load %arg10[%parallel_loop3A_1058, %parallel_loop3A_1059] {strides = array<i32>} : memref<32x768xf32, #tpu.memory_space<vmem>>, vector<1x16xf32>,
          %parallel_loop3A_1061 = vector.shape_cast %parallel_loop3A_1060 : vector<1x16xf32> to vector<16xf32>
          %parallel_loop3A_1062 = arith.constant 6 : i32
          %parallel_loop3A_1063 = arith.addi %add3A_139, %parallel_loop3A_1062 : i32
          %parallel_loop3A_1064 = arith.index_cast %parallel_loop3A_1063 : i32 to index
          %parallel_loop3A_1065 = arith.index_cast %parallel_loop3A_1006 : i32 to index
          %parallel_loop3A_1066 = tpu.vector_load %arg10[%parallel_loop3A_1064, %parallel_loop3A_1065] {strides = array<i32>} : memref<32x768xf32, #tpu.memory_space<vmem>>, vector<1x16xf32>,
          %parallel_loop3A_1067 = vector.shape_cast %parallel_loop3A_1066 : vector<1x16xf32> to vector<16xf32>
          %parallel_loop3A_1068 = arith.constant 7 : i32
          %parallel_loop3A_1069 = arith.addi %add3A_139, %parallel_loop3A_1068 : i32
          %parallel_loop3A_1070 = arith.index_cast %parallel_loop3A_1069 : i32 to index
          %parallel_loop3A_1071 = arith.index_cast %parallel_loop3A_1006 : i32 to index
          %parallel_loop3A_1072 = tpu.vector_load %arg10[%parallel_loop3A_1070, %parallel_loop3A_1071] {strides = array<i32>} : memref<32x768xf32, #tpu.memory_space<vmem>>, vector<1x16xf32>,
          %parallel_loop3A_1073 = vector.shape_cast %parallel_loop3A_1072 : vector<1x16xf32> to vector<16xf32>
          %parallel_loop3A_1074 = arith.constant 0 : i32
          %parallel_loop3A_1075 = arith.addi %add3A_142, %parallel_loop3A_1074 : i32
          %parallel_loop3A_1076 = arith.index_cast %parallel_loop3A_1075 : i32 to index
          %parallel_loop3A_1077 = arith.index_cast %parallel_loop3A_1006 : i32 to index
          %parallel_loop3A_1078 = tpu.vector_load %arg11[%parallel_loop3A_1076, %parallel_loop3A_1077] {strides = array<i32>} : memref<64x768xf32, #tpu.memory_space<vmem>>, vector<1x16xf32>,
          %parallel_loop3A_1079 = vector.shape_cast %parallel_loop3A_1078 : vector<1x16xf32> to vector<16xf32>
          %parallel_loop3A_1080 = arith.constant 1 : i32
          %parallel_loop3A_1081 = arith.addi %add3A_142, %parallel_loop3A_1080 : i32
          %parallel_loop3A_1082 = arith.index_cast %parallel_loop3A_1081 : i32 to index
          %parallel_loop3A_1083 = arith.index_cast %parallel_loop3A_1006 : i32 to index
          %parallel_loop3A_1084 = tpu.vector_load %arg11[%parallel_loop3A_1082, %parallel_loop3A_1083] {strides = array<i32>} : memref<64x768xf32, #tpu.memory_space<vmem>>, vector<1x16xf32>,
          %parallel_loop3A_1085 = vector.shape_cast %parallel_loop3A_1084 : vector<1x16xf32> to vector<16xf32>
          %parallel_loop3A_1086 = arith.constant 2 : i32
          %parallel_loop3A_1087 = arith.addi %add3A_142, %parallel_loop3A_1086 : i32
          %parallel_loop3A_1088 = arith.index_cast %parallel_loop3A_1087 : i32 to index
          %parallel_loop3A_1089 = arith.index_cast %parallel_loop3A_1006 : i32 to index
          %parallel_loop3A_1090 = tpu.vector_load %arg11[%parallel_loop3A_1088, %parallel_loop3A_1089] {strides = array<i32>} : memref<64x768xf32, #tpu.memory_space<vmem>>, vector<1x16xf32>,
          %parallel_loop3A_1091 = vector.shape_cast %parallel_loop3A_1090 : vector<1x16xf32> to vector<16xf32>
          %parallel_loop3A_1092 = arith.constant 3 : i32
          %parallel_loop3A_1093 = arith.addi %add3A_142, %parallel_loop3A_1092 : i32
          %parallel_loop3A_1094 = arith.index_cast %parallel_loop3A_1093 : i32 to index
          %parallel_loop3A_1095 = arith.index_cast %parallel_loop3A_1006 : i32 to index
          %parallel_loop3A_1096 = tpu.vector_load %arg11[%parallel_loop3A_1094, %parallel_loop3A_1095] {strides = array<i32>} : memref<64x768xf32, #tpu.memory_space<vmem>>, vector<1x16xf32>,
          %parallel_loop3A_1097 = vector.shape_cast %parallel_loop3A_1096 : vector<1x16xf32> to vector<16xf32>
          %parallel_loop3A_1098 = arith.constant 4 : i32
          %parallel_loop3A_1099 = arith.addi %add3A_142, %parallel_loop3A_1098 : i32
          %parallel_loop3A_1100 = arith.index_cast %parallel_loop3A_1099 : i32 to index
          %parallel_loop3A_1101 = arith.index_cast %parallel_loop3A_1006 : i32 to index
          %parallel_loop3A_1102 = tpu.vector_load %arg11[%parallel_loop3A_1100, %parallel_loop3A_1101] {strides = array<i32>} : memref<64x768xf32, #tpu.memory_space<vmem>>, vector<1x16xf32>,
          %parallel_loop3A_1103 = vector.shape_cast %parallel_loop3A_1102 : vector<1x16xf32> to vector<16xf32>
          %parallel_loop3A_1104 = arith.constant 5 : i32
          %parallel_loop3A_1105 = arith.addi %add3A_142, %parallel_loop3A_1104 : i32
          %parallel_loop3A_1106 = arith.index_cast %parallel_loop3A_1105 : i32 to index
          %parallel_loop3A_1107 = arith.index_cast %parallel_loop3A_1006 : i32 to index
          %parallel_loop3A_1108 = tpu.vector_load %arg11[%parallel_loop3A_1106, %parallel_loop3A_1107] {strides = array<i32>} : memref<64x768xf32, #tpu.memory_space<vmem>>, vector<1x16xf32>,
          %parallel_loop3A_1109 = vector.shape_cast %parallel_loop3A_1108 : vector<1x16xf32> to vector<16xf32>
          %parallel_loop3A_1110 = arith.constant 6 : i32
          %parallel_loop3A_1111 = arith.addi %add3A_142, %parallel_loop3A_1110 : i32
          %parallel_loop3A_1112 = arith.index_cast %parallel_loop3A_1111 : i32 to index
          %parallel_loop3A_1113 = arith.index_cast %parallel_loop3A_1006 : i32 to index
          %parallel_loop3A_1114 = tpu.vector_load %arg11[%parallel_loop3A_1112, %parallel_loop3A_1113] {strides = array<i32>} : memref<64x768xf32, #tpu.memory_space<vmem>>, vector<1x16xf32>,
          %parallel_loop3A_1115 = vector.shape_cast %parallel_loop3A_1114 : vector<1x16xf32> to vector<16xf32>
          %parallel_loop3A_1116 = arith.constant 7 : i32
          %parallel_loop3A_1117 = arith.addi %add3A_142, %parallel_loop3A_1116 : i32
          %parallel_loop3A_1118 = arith.index_cast %parallel_loop3A_1117 : i32 to index
          %parallel_loop3A_1119 = arith.index_cast %parallel_loop3A_1006 : i32 to index
          %parallel_loop3A_1120 = tpu.vector_load %arg11[%parallel_loop3A_1118, %parallel_loop3A_1119] {strides = array<i32>} : memref<64x768xf32, #tpu.memory_space<vmem>>, vector<1x16xf32>,
          %parallel_loop3A_1121 = vector.shape_cast %parallel_loop3A_1120 : vector<1x16xf32> to vector<16xf32>
          %parallel_loop3A_1122 = arith.addf %parallel_loop3A_1031, %parallel_loop3A_1079 : vector<16xf32>
          %parallel_loop3A_1123 = arith.addf %parallel_loop3A_1122, %parallel_loop3A_1025 : vector<16xf32>
          %parallel_loop3A_1124 = arith.addf %parallel_loop3A_1037, %parallel_loop3A_1085 : vector<16xf32>
          %parallel_loop3A_1125 = arith.addf %parallel_loop3A_1124, %parallel_loop3A_1025 : vector<16xf32>
          %parallel_loop3A_1126 = arith.addf %parallel_loop3A_1043, %parallel_loop3A_1091 : vector<16xf32>
          %parallel_loop3A_1127 = arith.addf %parallel_loop3A_1126, %parallel_loop3A_1025 : vector<16xf32>
          %parallel_loop3A_1128 = arith.addf %parallel_loop3A_1049, %parallel_loop3A_1097 : vector<16xf32>
          %parallel_loop3A_1129 = arith.addf %parallel_loop3A_1128, %parallel_loop3A_1025 : vector<16xf32>
          %parallel_loop3A_1130 = arith.addf %parallel_loop3A_1055, %parallel_loop3A_1103 : vector<16xf32>
          %parallel_loop3A_1131 = arith.addf %parallel_loop3A_1130, %parallel_loop3A_1025 : vector<16xf32>
          %parallel_loop3A_1132 = arith.addf %parallel_loop3A_1061, %parallel_loop3A_1109 : vector<16xf32>
          %parallel_loop3A_1133 = arith.addf %parallel_loop3A_1132, %parallel_loop3A_1025 : vector<16xf32>
          %parallel_loop3A_1134 = arith.addf %parallel_loop3A_1067, %parallel_loop3A_1115 : vector<16xf32>
          %parallel_loop3A_1135 = arith.addf %parallel_loop3A_1134, %parallel_loop3A_1025 : vector<16xf32>
          %parallel_loop3A_1136 = arith.addf %parallel_loop3A_1073, %parallel_loop3A_1121 : vector<16xf32>
          %parallel_loop3A_1137 = arith.addf %parallel_loop3A_1136, %parallel_loop3A_1025 : vector<16xf32>
          %parallel_loop3A_1138 = arith.constant 0 : i32
          %parallel_loop3A_1139 = arith.addi %add3A_139, %parallel_loop3A_1138 : i32
          %parallel_loop3A_1140 = arith.index_cast %parallel_loop3A_1139 : i32 to index
          %parallel_loop3A_1141 = arith.index_cast %parallel_loop3A_1006 : i32 to index
          %parallel_loop3A_1142 = tpu.vector_load %arg10[%parallel_loop3A_1140, %parallel_loop3A_1141] {strides = array<i32>} : memref<32x768xf32, #tpu.memory_space<vmem>>, vector<1x16xf32>,
          %parallel_loop3A_1143 = vector.shape_cast %parallel_loop3A_1142 : vector<1x16xf32> to vector<16xf32>
          %parallel_loop3A_1144 = vector.shape_cast %parallel_loop3A_1123 : vector<16xf32> to vector<1x16xf32>
          tpu.vector_store %arg10[%parallel_loop3A_1140, %parallel_loop3A_1141], %parallel_loop3A_1144 {strides = array<i32>} : memref<32x768xf32, #tpu.memory_space<vmem>>, vector<1x16xf32>,
          %parallel_loop3A_1145 = arith.constant 1 : i32
          %parallel_loop3A_1146 = arith.addi %add3A_139, %parallel_loop3A_1145 : i32
          %parallel_loop3A_1147 = arith.index_cast %parallel_loop3A_1146 : i32 to index
          %parallel_loop3A_1148 = arith.index_cast %parallel_loop3A_1006 : i32 to index
          %parallel_loop3A_1149 = tpu.vector_load %arg10[%parallel_loop3A_1147, %parallel_loop3A_1148] {strides = array<i32>} : memref<32x768xf32, #tpu.memory_space<vmem>>, vector<1x16xf32>,
          %parallel_loop3A_1150 = vector.shape_cast %parallel_loop3A_1149 : vector<1x16xf32> to vector<16xf32>
          %parallel_loop3A_1151 = vector.shape_cast %parallel_loop3A_1125 : vector<16xf32> to vector<1x16xf32>
          tpu.vector_store %arg10[%parallel_loop3A_1147, %parallel_loop3A_1148], %parallel_loop3A_1151 {strides = array<i32>} : memref<32x768xf32, #tpu.memory_space<vmem>>, vector<1x16xf32>,
          %parallel_loop3A_1152 = arith.constant 2 : i32
          %parallel_loop3A_1153 = arith.addi %add3A_139, %parallel_loop3A_1152 : i32
          %parallel_loop3A_1154 = arith.index_cast %parallel_loop3A_1153 : i32 to index
          %parallel_loop3A_1155 = arith.index_cast %parallel_loop3A_1006 : i32 to index
          %parallel_loop3A_1156 = tpu.vector_load %arg10[%parallel_loop3A_1154, %parallel_loop3A_1155] {strides = array<i32>} : memref<32x768xf32, #tpu.memory_space<vmem>>, vector<1x16xf32>,
          %parallel_loop3A_1157 = vector.shape_cast %parallel_loop3A_1156 : vector<1x16xf32> to vector<16xf32>
          %parallel_loop3A_1158 = vector.shape_cast %parallel_loop3A_1127 : vector<16xf32> to vector<1x16xf32>
          tpu.vector_store %arg10[%parallel_loop3A_1154, %parallel_loop3A_1155], %parallel_loop3A_1158 {strides = array<i32>} : memref<32x768xf32, #tpu.memory_space<vmem>>, vector<1x16xf32>,
          %parallel_loop3A_1159 = arith.constant 3 : i32
          %parallel_loop3A_1160 = arith.addi %add3A_139, %parallel_loop3A_1159 : i32
          %parallel_loop3A_1161 = arith.index_cast %parallel_loop3A_1160 : i32 to index
          %parallel_loop3A_1162 = arith.index_cast %parallel_loop3A_1006 : i32 to index
          %parallel_loop3A_1163 = tpu.vector_load %arg10[%parallel_loop3A_1161, %parallel_loop3A_1162] {strides = array<i32>} : memref<32x768xf32, #tpu.memory_space<vmem>>, vector<1x16xf32>,
          %parallel_loop3A_1164 = vector.shape_cast %parallel_loop3A_1163 : vector<1x16xf32> to vector<16xf32>
          %parallel_loop3A_1165 = vector.shape_cast %parallel_loop3A_1129 : vector<16xf32> to vector<1x16xf32>
          tpu.vector_store %arg10[%parallel_loop3A_1161, %parallel_loop3A_1162], %parallel_loop3A_1165 {strides = array<i32>} : memref<32x768xf32, #tpu.memory_space<vmem>>, vector<1x16xf32>,
          %parallel_loop3A_1166 = arith.constant 4 : i32
          %parallel_loop3A_1167 = arith.addi %add3A_139, %parallel_loop3A_1166 : i32
          %parallel_loop3A_1168 = arith.index_cast %parallel_loop3A_1167 : i32 to index
          %parallel_loop3A_1169 = arith.index_cast %parallel_loop3A_1006 : i32 to index
          %parallel_loop3A_1170 = tpu.vector_load %arg10[%parallel_loop3A_1168, %parallel_loop3A_1169] {strides = array<i32>} : memref<32x768xf32, #tpu.memory_space<vmem>>, vector<1x16xf32>,
          %parallel_loop3A_1171 = vector.shape_cast %parallel_loop3A_1170 : vector<1x16xf32> to vector<16xf32>
          %parallel_loop3A_1172 = vector.shape_cast %parallel_loop3A_1131 : vector<16xf32> to vector<1x16xf32>
          tpu.vector_store %arg10[%parallel_loop3A_1168, %parallel_loop3A_1169], %parallel_loop3A_1172 {strides = array<i32>} : memref<32x768xf32, #tpu.memory_space<vmem>>, vector<1x16xf32>,
          %parallel_loop3A_1173 = arith.constant 5 : i32
          %parallel_loop3A_1174 = arith.addi %add3A_139, %parallel_loop3A_1173 : i32
          %parallel_loop3A_1175 = arith.index_cast %parallel_loop3A_1174 : i32 to index
          %parallel_loop3A_1176 = arith.index_cast %parallel_loop3A_1006 : i32 to index
          %parallel_loop3A_1177 = tpu.vector_load %arg10[%parallel_loop3A_1175, %parallel_loop3A_1176] {strides = array<i32>} : memref<32x768xf32, #tpu.memory_space<vmem>>, vector<1x16xf32>,
          %parallel_loop3A_1178 = vector.shape_cast %parallel_loop3A_1177 : vector<1x16xf32> to vector<16xf32>
          %parallel_loop3A_1179 = vector.shape_cast %parallel_loop3A_1133 : vector<16xf32> to vector<1x16xf32>
          tpu.vector_store %arg10[%parallel_loop3A_1175, %parallel_loop3A_1176], %parallel_loop3A_1179 {strides = array<i32>} : memref<32x768xf32, #tpu.memory_space<vmem>>, vector<1x16xf32>,
          %parallel_loop3A_1180 = arith.constant 6 : i32
          %parallel_loop3A_1181 = arith.addi %add3A_139, %parallel_loop3A_1180 : i32
          %parallel_loop3A_1182 = arith.index_cast %parallel_loop3A_1181 : i32 to index
          %parallel_loop3A_1183 = arith.index_cast %parallel_loop3A_1006 : i32 to index
          %parallel_loop3A_1184 = tpu.vector_load %arg10[%parallel_loop3A_1182, %parallel_loop3A_1183] {strides = array<i32>} : memref<32x768xf32, #tpu.memory_space<vmem>>, vector<1x16xf32>,
          %parallel_loop3A_1185 = vector.shape_cast %parallel_loop3A_1184 : vector<1x16xf32> to vector<16xf32>
          %parallel_loop3A_1186 = vector.shape_cast %parallel_loop3A_1135 : vector<16xf32> to vector<1x16xf32>
          tpu.vector_store %arg10[%parallel_loop3A_1182, %parallel_loop3A_1183], %parallel_loop3A_1186 {strides = array<i32>} : memref<32x768xf32, #tpu.memory_space<vmem>>, vector<1x16xf32>,
          %parallel_loop3A_1187 = arith.constant 7 : i32
          %parallel_loop3A_1188 = arith.addi %add3A_139, %parallel_loop3A_1187 : i32
          %parallel_loop3A_1189 = arith.index_cast %parallel_loop3A_1188 : i32 to index
          %parallel_loop3A_1190 = arith.index_cast %parallel_loop3A_1006 : i32 to index
          %parallel_loop3A_1191 = tpu.vector_load %arg10[%parallel_loop3A_1189, %parallel_loop3A_1190] {strides = array<i32>} : memref<32x768xf32, #tpu.memory_space<vmem>>, vector<1x16xf32>,
          %parallel_loop3A_1192 = vector.shape_cast %parallel_loop3A_1191 : vector<1x16xf32> to vector<16xf32>
          %parallel_loop3A_1193 = vector.shape_cast %parallel_loop3A_1137 : vector<16xf32> to vector<1x16xf32>
          tpu.vector_store %arg10[%parallel_loop3A_1189, %parallel_loop3A_1190], %parallel_loop3A_1193 {strides = array<i32>} : memref<32x768xf32, #tpu.memory_space<vmem>>, vector<1x16xf32>,
          %parallel_loop3A_1194 = arith.addf %parallel_loop3A_1007, %parallel_loop3A_1123 : vector<16xf32>
          %parallel_loop3A_1195 = arith.addf %parallel_loop3A_1008, %parallel_loop3A_1125 : vector<16xf32>
          %parallel_loop3A_1196 = arith.addf %parallel_loop3A_1009, %parallel_loop3A_1127 : vector<16xf32>
          %parallel_loop3A_1197 = arith.addf %parallel_loop3A_1010, %parallel_loop3A_1129 : vector<16xf32>
          %parallel_loop3A_1198 = arith.addf %parallel_loop3A_1011, %parallel_loop3A_1131 : vector<16xf32>
          %parallel_loop3A_1199 = arith.addf %parallel_loop3A_1012, %parallel_loop3A_1133 : vector<16xf32>
          %parallel_loop3A_1200 = arith.addf %parallel_loop3A_1013, %parallel_loop3A_1135 : vector<16xf32>
          %parallel_loop3A_1201 = arith.addf %parallel_loop3A_1014, %parallel_loop3A_1137 : vector<16xf32>
          %parallel_loop3A_1202 = arith.mulf %parallel_loop3A_1123, %parallel_loop3A_1123 : vector<16xf32>
          %parallel_loop3A_1203 = arith.addf %parallel_loop3A_1015, %parallel_loop3A_1202 : vector<16xf32>
          %parallel_loop3A_1204 = arith.mulf %parallel_loop3A_1125, %parallel_loop3A_1125 : vector<16xf32>
          %parallel_loop3A_1205 = arith.addf %parallel_loop3A_1016, %parallel_loop3A_1204 : vector<16xf32>
          %parallel_loop3A_1206 = arith.mulf %parallel_loop3A_1127, %parallel_loop3A_1127 : vector<16xf32>
          %parallel_loop3A_1207 = arith.addf %parallel_loop3A_1017, %parallel_loop3A_1206 : vector<16xf32>
          %parallel_loop3A_1208 = arith.mulf %parallel_loop3A_1129, %parallel_loop3A_1129 : vector<16xf32>
          %parallel_loop3A_1209 = arith.addf %parallel_loop3A_1018, %parallel_loop3A_1208 : vector<16xf32>
          %parallel_loop3A_1210 = arith.mulf %parallel_loop3A_1131, %parallel_loop3A_1131 : vector<16xf32>
          %parallel_loop3A_1211 = arith.addf %parallel_loop3A_1019, %parallel_loop3A_1210 : vector<16xf32>
          %parallel_loop3A_1212 = arith.mulf %parallel_loop3A_1133, %parallel_loop3A_1133 : vector<16xf32>
          %parallel_loop3A_1213 = arith.addf %parallel_loop3A_1020, %parallel_loop3A_1212 : vector<16xf32>
          %parallel_loop3A_1214 = arith.mulf %parallel_loop3A_1135, %parallel_loop3A_1135 : vector<16xf32>
          %parallel_loop3A_1215 = arith.addf %parallel_loop3A_1021, %parallel_loop3A_1214 : vector<16xf32>
          %parallel_loop3A_1216 = arith.mulf %parallel_loop3A_1137, %parallel_loop3A_1137 : vector<16xf32>
          %parallel_loop3A_1217 = arith.addf %parallel_loop3A_1022, %parallel_loop3A_1216 : vector<16xf32>
          scf.yield %parallel_loop3A_1194, %parallel_loop3A_1195, %parallel_loop3A_1196, %parallel_loop3A_1197, %parallel_loop3A_1198, %parallel_loop3A_1199, %parallel_loop3A_1200, %parallel_loop3A_1201, %parallel_loop3A_1203, %parallel_loop3A_1205, %parallel_loop3A_1207, %parallel_loop3A_1209, %parallel_loop3A_1211, %parallel_loop3A_1213, %parallel_loop3A_1215, %parallel_loop3A_1217 : vector<16xf32>, vector<16xf32>, vector<16xf32>, vector<16xf32>, vector<16xf32>, vector<16xf32>, vector<16xf32>, vector<16xf32>, vector<16xf32>, vector<16xf32>, vector<16xf32>, vector<16xf32>, vector<16xf32>, vector<16xf32>, vector<16xf32>, vector<16xf32>
        } {sc.loop_unroll_factor = 4 : i64, sc.parallel_access}
        %iota3A = tpu.iota {dimensions = array<i32: 0>} : vector<16xi32>
        %xor3A = arith.constant 1 : i32
        %xor3A_177 = vector.broadcast %xor3A : i32 to vector<16xi32>
        %xor3A_178 = arith.xori %iota3A, %xor3A_177 : vector<16xi32>
        %reshape3A = vector.shape_cast %xor3A_178 : vector<16xi32> to vector<16x1xi32>
        %gather3A = vector.shape_cast %reshape3A : vector<16x1xi32> to vector<16xi32>
        %gather3A_179 = tpu.dynamic_gather %parallel_loop3A_176#0[%gather3A] in [0] : vector<16xf32>, vector<16xi32> -> vector<16xf32>
        %add3A_180 = arith.addf %parallel_loop3A_176#0, %gather3A_179 : vector<16xf32>
        %xor3A_181 = arith.constant 2 : i32
        %xor3A_182 = vector.broadcast %xor3A_181 : i32 to vector<16xi32>
        %xor3A_183 = arith.xori %iota3A, %xor3A_182 : vector<16xi32>
        %reshape3A_184 = vector.shape_cast %xor3A_183 : vector<16xi32> to vector<16x1xi32>
        %gather3A_185 = vector.shape_cast %reshape3A_184 : vector<16x1xi32> to vector<16xi32>
        %gather3A_186 = tpu.dynamic_gather %add3A_180[%gather3A_185] in [0] : vector<16xf32>, vector<16xi32> -> vector<16xf32>
        %add3A_187 = arith.addf %add3A_180, %gather3A_186 : vector<16xf32>
        %xor3A_188 = arith.constant 4 : i32
        %xor3A_189 = vector.broadcast %xor3A_188 : i32 to vector<16xi32>
        %xor3A_190 = arith.xori %iota3A, %xor3A_189 : vector<16xi32>
        %reshape3A_191 = vector.shape_cast %xor3A_190 : vector<16xi32> to vector<16x1xi32>
        %gather3A_192 = vector.shape_cast %reshape3A_191 : vector<16x1xi32> to vector<16xi32>
        %gather3A_193 = tpu.dynamic_gather %add3A_187[%gather3A_192] in [0] : vector<16xf32>, vector<16xi32> -> vector<16xf32>
        %add3A_194 = arith.addf %add3A_187, %gather3A_193 : vector<16xf32>
        %xor3A_195 = arith.constant 8 : i32
        %xor3A_196 = vector.broadcast %xor3A_195 : i32 to vector<16xi32>
        %xor3A_197 = arith.xori %iota3A, %xor3A_196 : vector<16xi32>
        %reshape3A_198 = vector.shape_cast %xor3A_197 : vector<16xi32> to vector<16x1xi32>
        %gather3A_199 = vector.shape_cast %reshape3A_198 : vector<16x1xi32> to vector<16xi32>
        %gather3A_200 = tpu.dynamic_gather %add3A_194[%gather3A_199] in [0] : vector<16xf32>, vector<16xi32> -> vector<16xf32>
        %add3A_201 = arith.addf %add3A_194, %gather3A_200 : vector<16xf32>
        %mul3A_202 = arith.constant 0.00130208337 : f32
        %mul3A_203 = vector.broadcast %mul3A_202 : f32 to vector<16xf32>
        %mul3A_204 = arith.mulf %add3A_201, %mul3A_203 : vector<16xf32>
        %iota3A_205 = tpu.iota {dimensions = array<i32: 0>} : vector<16xi32>
        %xor3A_206 = arith.constant 1 : i32
        %xor3A_207 = vector.broadcast %xor3A_206 : i32 to vector<16xi32>
        %xor3A_208 = arith.xori %iota3A_205, %xor3A_207 : vector<16xi32>
        %reshape3A_209 = vector.shape_cast %xor3A_208 : vector<16xi32> to vector<16x1xi32>
        %gather3A_210 = vector.shape_cast %reshape3A_209 : vector<16x1xi32> to vector<16xi32>
        %gather3A_211 = tpu.dynamic_gather %parallel_loop3A_176#8[%gather3A_210] in [0] : vector<16xf32>, vector<16xi32> -> vector<16xf32>
        %add3A_212 = arith.addf %parallel_loop3A_176#8, %gather3A_211 : vector<16xf32>
        %xor3A_213 = arith.constant 2 : i32
        %xor3A_214 = vector.broadcast %xor3A_213 : i32 to vector<16xi32>
        %xor3A_215 = arith.xori %iota3A_205, %xor3A_214 : vector<16xi32>
        %reshape3A_216 = vector.shape_cast %xor3A_215 : vector<16xi32> to vector<16x1xi32>
        %gather3A_217 = vector.shape_cast %reshape3A_216 : vector<16x1xi32> to vector<16xi32>
        %gather3A_218 = tpu.dynamic_gather %add3A_212[%gather3A_217] in [0] : vector<16xf32>, vector<16xi32> -> vector<16xf32>
        %add3A_219 = arith.addf %add3A_212, %gather3A_218 : vector<16xf32>
        %xor3A_220 = arith.constant 4 : i32
        %xor3A_221 = vector.broadcast %xor3A_220 : i32 to vector<16xi32>
        %xor3A_222 = arith.xori %iota3A_205, %xor3A_221 : vector<16xi32>
        %reshape3A_223 = vector.shape_cast %xor3A_222 : vector<16xi32> to vector<16x1xi32>
        %gather3A_224 = vector.shape_cast %reshape3A_223 : vector<16x1xi32> to vector<16xi32>
        %gather3A_225 = tpu.dynamic_gather %add3A_219[%gather3A_224] in [0] : vector<16xf32>, vector<16xi32> -> vector<16xf32>
        %add3A_226 = arith.addf %add3A_219, %gather3A_225 : vector<16xf32>
        %xor3A_227 = arith.constant 8 : i32
        %xor3A_228 = vector.broadcast %xor3A_227 : i32 to vector<16xi32>
        %xor3A_229 = arith.xori %iota3A_205, %xor3A_228 : vector<16xi32>
        %reshape3A_230 = vector.shape_cast %xor3A_229 : vector<16xi32> to vector<16x1xi32>
        %gather3A_231 = vector.shape_cast %reshape3A_230 : vector<16x1xi32> to vector<16xi32>
        %gather3A_232 = tpu.dynamic_gather %add3A_226[%gather3A_231] in [0] : vector<16xf32>, vector<16xi32> -> vector<16xf32>
        %add3A_233 = arith.addf %add3A_226, %gather3A_232 : vector<16xf32>
        %mul3A_234 = arith.constant 0.00130208337 : f32
        %mul3A_235 = vector.broadcast %mul3A_234 : f32 to vector<16xf32>
        %mul3A_236 = arith.mulf %add3A_233, %mul3A_235 : vector<16xf32>
        %mul3A_237 = arith.mulf %mul3A_204, %mul3A_204 : vector<16xf32>
        %sub3A_238 = arith.subf %mul3A_236, %mul3A_237 : vector<16xf32>
        %add3A_239 = arith.constant 1.000000e-10 : f32
        %add3A_240 = vector.broadcast %add3A_239 : f32 to vector<16xf32>
        %add3A_241 = arith.addf %sub3A_238, %add3A_240 : vector<16xf32>
        %bitcast_convert_type3A = tpu.bitcast %add3A_241 : vector<16xf32> -> vector<16xi32>
        %shift_right_logical3A = arith.constant 1 : i32
        %shift_right_logical3A_242 = vector.broadcast %shift_right_logical3A : i32 to vector<16xi32>
        %shift_right_logical3A_243 = arith.shrui %bitcast_convert_type3A, %shift_right_logical3A_242 : vector<16xi32>
        %sub3A_244 = arith.constant 1597463007 : i32
        %sub3A_245 = vector.broadcast %sub3A_244 : i32 to vector<16xi32>
        %sub3A_246 = arith.subi %sub3A_245, %shift_right_logical3A_243 : vector<16xi32>
        %bitcast_convert_type3A_247 = tpu.bitcast %sub3A_246 : vector<16xi32> -> vector<16xf32>
        %mul3A_248 = arith.constant 5.000000e-01 : f32
        %mul3A_249 = vector.broadcast %mul3A_248 : f32 to vector<16xf32>
        %mul3A_250 = arith.mulf %mul3A_249, %add3A_241 : vector<16xf32>
        %mul3A_251 = arith.mulf %mul3A_250, %bitcast_convert_type3A_247 : vector<16xf32>
        %mul3A_252 = arith.mulf %mul3A_251, %bitcast_convert_type3A_247 : vector<16xf32>
        %sub3A_253 = arith.constant 1.500000e+00 : f32
        %sub3A_254 = vector.broadcast %sub3A_253 : f32 to vector<16xf32>
        %sub3A_255 = arith.subf %sub3A_254, %mul3A_252 : vector<16xf32>
        %mul3A_256 = arith.mulf %bitcast_convert_type3A_247, %sub3A_255 : vector<16xf32>
        %mul3A_257 = arith.constant 5.000000e-01 : f32
        %mul3A_258 = vector.broadcast %mul3A_257 : f32 to vector<16xf32>
        %mul3A_259 = arith.mulf %mul3A_258, %add3A_241 : vector<16xf32>
        %mul3A_260 = arith.mulf %mul3A_259, %mul3A_256 : vector<16xf32>
        %mul3A_261 = arith.mulf %mul3A_260, %mul3A_256 : vector<16xf32>
        %sub3A_262 = arith.constant 1.500000e+00 : f32
        %sub3A_263 = vector.broadcast %sub3A_262 : f32 to vector<16xf32>
        %sub3A_264 = arith.subf %sub3A_263, %mul3A_261 : vector<16xf32>
        %mul3A_265 = arith.mulf %mul3A_256, %sub3A_264 : vector<16xf32>
        %mul3A_266 = arith.constant 5.000000e-01 : f32
        %mul3A_267 = vector.broadcast %mul3A_266 : f32 to vector<16xf32>
        %mul3A_268 = arith.mulf %mul3A_267, %add3A_241 : vector<16xf32>
        %mul3A_269 = arith.mulf %mul3A_268, %mul3A_265 : vector<16xf32>
        %mul3A_270 = arith.mulf %mul3A_269, %mul3A_265 : vector<16xf32>
        %sub3A_271 = arith.constant 1.500000e+00 : f32
        %sub3A_272 = vector.broadcast %sub3A_271 : f32 to vector<16xf32>
        %sub3A_273 = arith.subf %sub3A_272, %mul3A_270 : vector<16xf32>
        %mul3A_274 = arith.mulf %mul3A_265, %sub3A_273 : vector<16xf32>
        %iota3A_275 = tpu.iota {dimensions = array<i32: 0>} : vector<16xi32>
        %xor3A_276 = arith.constant 1 : i32
        %xor3A_277 = vector.broadcast %xor3A_276 : i32 to vector<16xi32>
        %xor3A_278 = arith.xori %iota3A_275, %xor3A_277 : vector<16xi32>
        %reshape3A_279 = vector.shape_cast %xor3A_278 : vector<16xi32> to vector<16x1xi32>
        %gather3A_280 = vector.shape_cast %reshape3A_279 : vector<16x1xi32> to vector<16xi32>
        %gather3A_281 = tpu.dynamic_gather %parallel_loop3A_176#1[%gather3A_280] in [0] : vector<16xf32>, vector<16xi32> -> vector<16xf32>
        %add3A_282 = arith.addf %parallel_loop3A_176#1, %gather3A_281 : vector<16xf32>
        %xor3A_283 = arith.constant 2 : i32
        %xor3A_284 = vector.broadcast %xor3A_283 : i32 to vector<16xi32>
        %xor3A_285 = arith.xori %iota3A_275, %xor3A_284 : vector<16xi32>
        %reshape3A_286 = vector.shape_cast %xor3A_285 : vector<16xi32> to vector<16x1xi32>
        %gather3A_287 = vector.shape_cast %reshape3A_286 : vector<16x1xi32> to vector<16xi32>
        %gather3A_288 = tpu.dynamic_gather %add3A_282[%gather3A_287] in [0] : vector<16xf32>, vector<16xi32> -> vector<16xf32>
        %add3A_289 = arith.addf %add3A_282, %gather3A_288 : vector<16xf32>
        %xor3A_290 = arith.constant 4 : i32
        %xor3A_291 = vector.broadcast %xor3A_290 : i32 to vector<16xi32>
        %xor3A_292 = arith.xori %iota3A_275, %xor3A_291 : vector<16xi32>
        %reshape3A_293 = vector.shape_cast %xor3A_292 : vector<16xi32> to vector<16x1xi32>
        %gather3A_294 = vector.shape_cast %reshape3A_293 : vector<16x1xi32> to vector<16xi32>
        %gather3A_295 = tpu.dynamic_gather %add3A_289[%gather3A_294] in [0] : vector<16xf32>, vector<16xi32> -> vector<16xf32>
        %add3A_296 = arith.addf %add3A_289, %gather3A_295 : vector<16xf32>
        %xor3A_297 = arith.constant 8 : i32
        %xor3A_298 = vector.broadcast %xor3A_297 : i32 to vector<16xi32>
        %xor3A_299 = arith.xori %iota3A_275, %xor3A_298 : vector<16xi32>
        %reshape3A_300 = vector.shape_cast %xor3A_299 : vector<16xi32> to vector<16x1xi32>
        %gather3A_301 = vector.shape_cast %reshape3A_300 : vector<16x1xi32> to vector<16xi32>
        %gather3A_302 = tpu.dynamic_gather %add3A_296[%gather3A_301] in [0] : vector<16xf32>, vector<16xi32> -> vector<16xf32>
        %add3A_303 = arith.addf %add3A_296, %gather3A_302 : vector<16xf32>
        %mul3A_304 = arith.constant 0.00130208337 : f32
        %mul3A_305 = vector.broadcast %mul3A_304 : f32 to vector<16xf32>
        %mul3A_306 = arith.mulf %add3A_303, %mul3A_305 : vector<16xf32>
        %iota3A_307 = tpu.iota {dimensions = array<i32: 0>} : vector<16xi32>
        %xor3A_308 = arith.constant 1 : i32
        %xor3A_309 = vector.broadcast %xor3A_308 : i32 to vector<16xi32>
        %xor3A_310 = arith.xori %iota3A_307, %xor3A_309 : vector<16xi32>
        %reshape3A_311 = vector.shape_cast %xor3A_310 : vector<16xi32> to vector<16x1xi32>
        %gather3A_312 = vector.shape_cast %reshape3A_311 : vector<16x1xi32> to vector<16xi32>
        %gather3A_313 = tpu.dynamic_gather %parallel_loop3A_176#9[%gather3A_312] in [0] : vector<16xf32>, vector<16xi32> -> vector<16xf32>
        %add3A_314 = arith.addf %parallel_loop3A_176#9, %gather3A_313 : vector<16xf32>
        %xor3A_315 = arith.constant 2 : i32
        %xor3A_316 = vector.broadcast %xor3A_315 : i32 to vector<16xi32>
        %xor3A_317 = arith.xori %iota3A_307, %xor3A_316 : vector<16xi32>
        %reshape3A_318 = vector.shape_cast %xor3A_317 : vector<16xi32> to vector<16x1xi32>
        %gather3A_319 = vector.shape_cast %reshape3A_318 : vector<16x1xi32> to vector<16xi32>
        %gather3A_320 = tpu.dynamic_gather %add3A_314[%gather3A_319] in [0] : vector<16xf32>, vector<16xi32> -> vector<16xf32>
        %add3A_321 = arith.addf %add3A_314, %gather3A_320 : vector<16xf32>
        %xor3A_322 = arith.constant 4 : i32
        %xor3A_323 = vector.broadcast %xor3A_322 : i32 to vector<16xi32>
        %xor3A_324 = arith.xori %iota3A_307, %xor3A_323 : vector<16xi32>
        %reshape3A_325 = vector.shape_cast %xor3A_324 : vector<16xi32> to vector<16x1xi32>
        %gather3A_326 = vector.shape_cast %reshape3A_325 : vector<16x1xi32> to vector<16xi32>
        %gather3A_327 = tpu.dynamic_gather %add3A_321[%gather3A_326] in [0] : vector<16xf32>, vector<16xi32> -> vector<16xf32>
        %add3A_328 = arith.addf %add3A_321, %gather3A_327 : vector<16xf32>
        %xor3A_329 = arith.constant 8 : i32
        %xor3A_330 = vector.broadcast %xor3A_329 : i32 to vector<16xi32>
        %xor3A_331 = arith.xori %iota3A_307, %xor3A_330 : vector<16xi32>
        %reshape3A_332 = vector.shape_cast %xor3A_331 : vector<16xi32> to vector<16x1xi32>
        %gather3A_333 = vector.shape_cast %reshape3A_332 : vector<16x1xi32> to vector<16xi32>
        %gather3A_334 = tpu.dynamic_gather %add3A_328[%gather3A_333] in [0] : vector<16xf32>, vector<16xi32> -> vector<16xf32>
        %add3A_335 = arith.addf %add3A_328, %gather3A_334 : vector<16xf32>
        %mul3A_336 = arith.constant 0.00130208337 : f32
        %mul3A_337 = vector.broadcast %mul3A_336 : f32 to vector<16xf32>
        %mul3A_338 = arith.mulf %add3A_335, %mul3A_337 : vector<16xf32>
        %mul3A_339 = arith.mulf %mul3A_306, %mul3A_306 : vector<16xf32>
        %sub3A_340 = arith.subf %mul3A_338, %mul3A_339 : vector<16xf32>
        %add3A_341 = arith.constant 1.000000e-10 : f32
        %add3A_342 = vector.broadcast %add3A_341 : f32 to vector<16xf32>
        %add3A_343 = arith.addf %sub3A_340, %add3A_342 : vector<16xf32>
        %bitcast_convert_type3A_344 = tpu.bitcast %add3A_343 : vector<16xf32> -> vector<16xi32>
        %shift_right_logical3A_345 = arith.constant 1 : i32
        %shift_right_logical3A_346 = vector.broadcast %shift_right_logical3A_345 : i32 to vector<16xi32>
        %shift_right_logical3A_347 = arith.shrui %bitcast_convert_type3A_344, %shift_right_logical3A_346 : vector<16xi32>
        %sub3A_348 = arith.constant 1597463007 : i32
        %sub3A_349 = vector.broadcast %sub3A_348 : i32 to vector<16xi32>
        %sub3A_350 = arith.subi %sub3A_349, %shift_right_logical3A_347 : vector<16xi32>
        %bitcast_convert_type3A_351 = tpu.bitcast %sub3A_350 : vector<16xi32> -> vector<16xf32>
        %mul3A_352 = arith.constant 5.000000e-01 : f32
        %mul3A_353 = vector.broadcast %mul3A_352 : f32 to vector<16xf32>
        %mul3A_354 = arith.mulf %mul3A_353, %add3A_343 : vector<16xf32>
        %mul3A_355 = arith.mulf %mul3A_354, %bitcast_convert_type3A_351 : vector<16xf32>
        %mul3A_356 = arith.mulf %mul3A_355, %bitcast_convert_type3A_351 : vector<16xf32>
        %sub3A_357 = arith.constant 1.500000e+00 : f32
        %sub3A_358 = vector.broadcast %sub3A_357 : f32 to vector<16xf32>
        %sub3A_359 = arith.subf %sub3A_358, %mul3A_356 : vector<16xf32>
        %mul3A_360 = arith.mulf %bitcast_convert_type3A_351, %sub3A_359 : vector<16xf32>
        %mul3A_361 = arith.constant 5.000000e-01 : f32
        %mul3A_362 = vector.broadcast %mul3A_361 : f32 to vector<16xf32>
        %mul3A_363 = arith.mulf %mul3A_362, %add3A_343 : vector<16xf32>
        %mul3A_364 = arith.mulf %mul3A_363, %mul3A_360 : vector<16xf32>
        %mul3A_365 = arith.mulf %mul3A_364, %mul3A_360 : vector<16xf32>
        %sub3A_366 = arith.constant 1.500000e+00 : f32
        %sub3A_367 = vector.broadcast %sub3A_366 : f32 to vector<16xf32>
        %sub3A_368 = arith.subf %sub3A_367, %mul3A_365 : vector<16xf32>
        %mul3A_369 = arith.mulf %mul3A_360, %sub3A_368 : vector<16xf32>
        %mul3A_370 = arith.constant 5.000000e-01 : f32
        %mul3A_371 = vector.broadcast %mul3A_370 : f32 to vector<16xf32>
        %mul3A_372 = arith.mulf %mul3A_371, %add3A_343 : vector<16xf32>
        %mul3A_373 = arith.mulf %mul3A_372, %mul3A_369 : vector<16xf32>
        %mul3A_374 = arith.mulf %mul3A_373, %mul3A_369 : vector<16xf32>
        %sub3A_375 = arith.constant 1.500000e+00 : f32
        %sub3A_376 = vector.broadcast %sub3A_375 : f32 to vector<16xf32>
        %sub3A_377 = arith.subf %sub3A_376, %mul3A_374 : vector<16xf32>
        %mul3A_378 = arith.mulf %mul3A_369, %sub3A_377 : vector<16xf32>
        %iota3A_379 = tpu.iota {dimensions = array<i32: 0>} : vector<16xi32>
        %xor3A_380 = arith.constant 1 : i32
        %xor3A_381 = vector.broadcast %xor3A_380 : i32 to vector<16xi32>
        %xor3A_382 = arith.xori %iota3A_379, %xor3A_381 : vector<16xi32>
        %reshape3A_383 = vector.shape_cast %xor3A_382 : vector<16xi32> to vector<16x1xi32>
        %gather3A_384 = vector.shape_cast %reshape3A_383 : vector<16x1xi32> to vector<16xi32>
        %gather3A_385 = tpu.dynamic_gather %parallel_loop3A_176#2[%gather3A_384] in [0] : vector<16xf32>, vector<16xi32> -> vector<16xf32>
        %add3A_386 = arith.addf %parallel_loop3A_176#2, %gather3A_385 : vector<16xf32>
        %xor3A_387 = arith.constant 2 : i32
        %xor3A_388 = vector.broadcast %xor3A_387 : i32 to vector<16xi32>
        %xor3A_389 = arith.xori %iota3A_379, %xor3A_388 : vector<16xi32>
        %reshape3A_390 = vector.shape_cast %xor3A_389 : vector<16xi32> to vector<16x1xi32>
        %gather3A_391 = vector.shape_cast %reshape3A_390 : vector<16x1xi32> to vector<16xi32>
        %gather3A_392 = tpu.dynamic_gather %add3A_386[%gather3A_391] in [0] : vector<16xf32>, vector<16xi32> -> vector<16xf32>
        %add3A_393 = arith.addf %add3A_386, %gather3A_392 : vector<16xf32>
        %xor3A_394 = arith.constant 4 : i32
        %xor3A_395 = vector.broadcast %xor3A_394 : i32 to vector<16xi32>
        %xor3A_396 = arith.xori %iota3A_379, %xor3A_395 : vector<16xi32>
        %reshape3A_397 = vector.shape_cast %xor3A_396 : vector<16xi32> to vector<16x1xi32>
        %gather3A_398 = vector.shape_cast %reshape3A_397 : vector<16x1xi32> to vector<16xi32>
        %gather3A_399 = tpu.dynamic_gather %add3A_393[%gather3A_398] in [0] : vector<16xf32>, vector<16xi32> -> vector<16xf32>
        %add3A_400 = arith.addf %add3A_393, %gather3A_399 : vector<16xf32>
        %xor3A_401 = arith.constant 8 : i32
        %xor3A_402 = vector.broadcast %xor3A_401 : i32 to vector<16xi32>
        %xor3A_403 = arith.xori %iota3A_379, %xor3A_402 : vector<16xi32>
        %reshape3A_404 = vector.shape_cast %xor3A_403 : vector<16xi32> to vector<16x1xi32>
        %gather3A_405 = vector.shape_cast %reshape3A_404 : vector<16x1xi32> to vector<16xi32>
        %gather3A_406 = tpu.dynamic_gather %add3A_400[%gather3A_405] in [0] : vector<16xf32>, vector<16xi32> -> vector<16xf32>
        %add3A_407 = arith.addf %add3A_400, %gather3A_406 : vector<16xf32>
        %mul3A_408 = arith.constant 0.00130208337 : f32
        %mul3A_409 = vector.broadcast %mul3A_408 : f32 to vector<16xf32>
        %mul3A_410 = arith.mulf %add3A_407, %mul3A_409 : vector<16xf32>
        %iota3A_411 = tpu.iota {dimensions = array<i32: 0>} : vector<16xi32>
        %xor3A_412 = arith.constant 1 : i32
        %xor3A_413 = vector.broadcast %xor3A_412 : i32 to vector<16xi32>
        %xor3A_414 = arith.xori %iota3A_411, %xor3A_413 : vector<16xi32>
        %reshape3A_415 = vector.shape_cast %xor3A_414 : vector<16xi32> to vector<16x1xi32>
        %gather3A_416 = vector.shape_cast %reshape3A_415 : vector<16x1xi32> to vector<16xi32>
        %gather3A_417 = tpu.dynamic_gather %parallel_loop3A_176#10[%gather3A_416] in [0] : vector<16xf32>, vector<16xi32> -> vector<16xf32>
        %add3A_418 = arith.addf %parallel_loop3A_176#10, %gather3A_417 : vector<16xf32>
        %xor3A_419 = arith.constant 2 : i32
        %xor3A_420 = vector.broadcast %xor3A_419 : i32 to vector<16xi32>
        %xor3A_421 = arith.xori %iota3A_411, %xor3A_420 : vector<16xi32>
        %reshape3A_422 = vector.shape_cast %xor3A_421 : vector<16xi32> to vector<16x1xi32>
        %gather3A_423 = vector.shape_cast %reshape3A_422 : vector<16x1xi32> to vector<16xi32>
        %gather3A_424 = tpu.dynamic_gather %add3A_418[%gather3A_423] in [0] : vector<16xf32>, vector<16xi32> -> vector<16xf32>
        %add3A_425 = arith.addf %add3A_418, %gather3A_424 : vector<16xf32>
        %xor3A_426 = arith.constant 4 : i32
        %xor3A_427 = vector.broadcast %xor3A_426 : i32 to vector<16xi32>
        %xor3A_428 = arith.xori %iota3A_411, %xor3A_427 : vector<16xi32>
        %reshape3A_429 = vector.shape_cast %xor3A_428 : vector<16xi32> to vector<16x1xi32>
        %gather3A_430 = vector.shape_cast %reshape3A_429 : vector<16x1xi32> to vector<16xi32>
        %gather3A_431 = tpu.dynamic_gather %add3A_425[%gather3A_430] in [0] : vector<16xf32>, vector<16xi32> -> vector<16xf32>
        %add3A_432 = arith.addf %add3A_425, %gather3A_431 : vector<16xf32>
        %xor3A_433 = arith.constant 8 : i32
        %xor3A_434 = vector.broadcast %xor3A_433 : i32 to vector<16xi32>
        %xor3A_435 = arith.xori %iota3A_411, %xor3A_434 : vector<16xi32>
        %reshape3A_436 = vector.shape_cast %xor3A_435 : vector<16xi32> to vector<16x1xi32>
        %gather3A_437 = vector.shape_cast %reshape3A_436 : vector<16x1xi32> to vector<16xi32>
        %gather3A_438 = tpu.dynamic_gather %add3A_432[%gather3A_437] in [0] : vector<16xf32>, vector<16xi32> -> vector<16xf32>
        %add3A_439 = arith.addf %add3A_432, %gather3A_438 : vector<16xf32>
        %mul3A_440 = arith.constant 0.00130208337 : f32
        %mul3A_441 = vector.broadcast %mul3A_440 : f32 to vector<16xf32>
        %mul3A_442 = arith.mulf %add3A_439, %mul3A_441 : vector<16xf32>
        %mul3A_443 = arith.mulf %mul3A_410, %mul3A_410 : vector<16xf32>
        %sub3A_444 = arith.subf %mul3A_442, %mul3A_443 : vector<16xf32>
        %add3A_445 = arith.constant 1.000000e-10 : f32
        %add3A_446 = vector.broadcast %add3A_445 : f32 to vector<16xf32>
        %add3A_447 = arith.addf %sub3A_444, %add3A_446 : vector<16xf32>
        %bitcast_convert_type3A_448 = tpu.bitcast %add3A_447 : vector<16xf32> -> vector<16xi32>
        %shift_right_logical3A_449 = arith.constant 1 : i32
        %shift_right_logical3A_450 = vector.broadcast %shift_right_logical3A_449 : i32 to vector<16xi32>
        %shift_right_logical3A_451 = arith.shrui %bitcast_convert_type3A_448, %shift_right_logical3A_450 : vector<16xi32>
        %sub3A_452 = arith.constant 1597463007 : i32
        %sub3A_453 = vector.broadcast %sub3A_452 : i32 to vector<16xi32>
        %sub3A_454 = arith.subi %sub3A_453, %shift_right_logical3A_451 : vector<16xi32>
        %bitcast_convert_type3A_455 = tpu.bitcast %sub3A_454 : vector<16xi32> -> vector<16xf32>
        %mul3A_456 = arith.constant 5.000000e-01 : f32
        %mul3A_457 = vector.broadcast %mul3A_456 : f32 to vector<16xf32>
        %mul3A_458 = arith.mulf %mul3A_457, %add3A_447 : vector<16xf32>
        %mul3A_459 = arith.mulf %mul3A_458, %bitcast_convert_type3A_455 : vector<16xf32>
        %mul3A_460 = arith.mulf %mul3A_459, %bitcast_convert_type3A_455 : vector<16xf32>
        %sub3A_461 = arith.constant 1.500000e+00 : f32
        %sub3A_462 = vector.broadcast %sub3A_461 : f32 to vector<16xf32>
        %sub3A_463 = arith.subf %sub3A_462, %mul3A_460 : vector<16xf32>
        %mul3A_464 = arith.mulf %bitcast_convert_type3A_455, %sub3A_463 : vector<16xf32>
        %mul3A_465 = arith.constant 5.000000e-01 : f32
        %mul3A_466 = vector.broadcast %mul3A_465 : f32 to vector<16xf32>
        %mul3A_467 = arith.mulf %mul3A_466, %add3A_447 : vector<16xf32>
        %mul3A_468 = arith.mulf %mul3A_467, %mul3A_464 : vector<16xf32>
        %mul3A_469 = arith.mulf %mul3A_468, %mul3A_464 : vector<16xf32>
        %sub3A_470 = arith.constant 1.500000e+00 : f32
        %sub3A_471 = vector.broadcast %sub3A_470 : f32 to vector<16xf32>
        %sub3A_472 = arith.subf %sub3A_471, %mul3A_469 : vector<16xf32>
        %mul3A_473 = arith.mulf %mul3A_464, %sub3A_472 : vector<16xf32>
        %mul3A_474 = arith.constant 5.000000e-01 : f32
        %mul3A_475 = vector.broadcast %mul3A_474 : f32 to vector<16xf32>
        %mul3A_476 = arith.mulf %mul3A_475, %add3A_447 : vector<16xf32>
        %mul3A_477 = arith.mulf %mul3A_476, %mul3A_473 : vector<16xf32>
        %mul3A_478 = arith.mulf %mul3A_477, %mul3A_473 : vector<16xf32>
        %sub3A_479 = arith.constant 1.500000e+00 : f32
        %sub3A_480 = vector.broadcast %sub3A_479 : f32 to vector<16xf32>
        %sub3A_481 = arith.subf %sub3A_480, %mul3A_478 : vector<16xf32>
        %mul3A_482 = arith.mulf %mul3A_473, %sub3A_481 : vector<16xf32>
        %iota3A_483 = tpu.iota {dimensions = array<i32: 0>} : vector<16xi32>
        %xor3A_484 = arith.constant 1 : i32
        %xor3A_485 = vector.broadcast %xor3A_484 : i32 to vector<16xi32>
        %xor3A_486 = arith.xori %iota3A_483, %xor3A_485 : vector<16xi32>
        %reshape3A_487 = vector.shape_cast %xor3A_486 : vector<16xi32> to vector<16x1xi32>
        %gather3A_488 = vector.shape_cast %reshape3A_487 : vector<16x1xi32> to vector<16xi32>
        %gather3A_489 = tpu.dynamic_gather %parallel_loop3A_176#3[%gather3A_488] in [0] : vector<16xf32>, vector<16xi32> -> vector<16xf32>
        %add3A_490 = arith.addf %parallel_loop3A_176#3, %gather3A_489 : vector<16xf32>
        %xor3A_491 = arith.constant 2 : i32
        %xor3A_492 = vector.broadcast %xor3A_491 : i32 to vector<16xi32>
        %xor3A_493 = arith.xori %iota3A_483, %xor3A_492 : vector<16xi32>
        %reshape3A_494 = vector.shape_cast %xor3A_493 : vector<16xi32> to vector<16x1xi32>
        %gather3A_495 = vector.shape_cast %reshape3A_494 : vector<16x1xi32> to vector<16xi32>
        %gather3A_496 = tpu.dynamic_gather %add3A_490[%gather3A_495] in [0] : vector<16xf32>, vector<16xi32> -> vector<16xf32>
        %add3A_497 = arith.addf %add3A_490, %gather3A_496 : vector<16xf32>
        %xor3A_498 = arith.constant 4 : i32
        %xor3A_499 = vector.broadcast %xor3A_498 : i32 to vector<16xi32>
        %xor3A_500 = arith.xori %iota3A_483, %xor3A_499 : vector<16xi32>
        %reshape3A_501 = vector.shape_cast %xor3A_500 : vector<16xi32> to vector<16x1xi32>
        %gather3A_502 = vector.shape_cast %reshape3A_501 : vector<16x1xi32> to vector<16xi32>
        %gather3A_503 = tpu.dynamic_gather %add3A_497[%gather3A_502] in [0] : vector<16xf32>, vector<16xi32> -> vector<16xf32>
        %add3A_504 = arith.addf %add3A_497, %gather3A_503 : vector<16xf32>
        %xor3A_505 = arith.constant 8 : i32
        %xor3A_506 = vector.broadcast %xor3A_505 : i32 to vector<16xi32>
        %xor3A_507 = arith.xori %iota3A_483, %xor3A_506 : vector<16xi32>
        %reshape3A_508 = vector.shape_cast %xor3A_507 : vector<16xi32> to vector<16x1xi32>
        %gather3A_509 = vector.shape_cast %reshape3A_508 : vector<16x1xi32> to vector<16xi32>
        %gather3A_510 = tpu.dynamic_gather %add3A_504[%gather3A_509] in [0] : vector<16xf32>, vector<16xi32> -> vector<16xf32>
        %add3A_511 = arith.addf %add3A_504, %gather3A_510 : vector<16xf32>
        %mul3A_512 = arith.constant 0.00130208337 : f32
        %mul3A_513 = vector.broadcast %mul3A_512 : f32 to vector<16xf32>
        %mul3A_514 = arith.mulf %add3A_511, %mul3A_513 : vector<16xf32>
        %iota3A_515 = tpu.iota {dimensions = array<i32: 0>} : vector<16xi32>
        %xor3A_516 = arith.constant 1 : i32
        %xor3A_517 = vector.broadcast %xor3A_516 : i32 to vector<16xi32>
        %xor3A_518 = arith.xori %iota3A_515, %xor3A_517 : vector<16xi32>
        %reshape3A_519 = vector.shape_cast %xor3A_518 : vector<16xi32> to vector<16x1xi32>
        %gather3A_520 = vector.shape_cast %reshape3A_519 : vector<16x1xi32> to vector<16xi32>
        %gather3A_521 = tpu.dynamic_gather %parallel_loop3A_176#11[%gather3A_520] in [0] : vector<16xf32>, vector<16xi32> -> vector<16xf32>
        %add3A_522 = arith.addf %parallel_loop3A_176#11, %gather3A_521 : vector<16xf32>
        %xor3A_523 = arith.constant 2 : i32
        %xor3A_524 = vector.broadcast %xor3A_523 : i32 to vector<16xi32>
        %xor3A_525 = arith.xori %iota3A_515, %xor3A_524 : vector<16xi32>
        %reshape3A_526 = vector.shape_cast %xor3A_525 : vector<16xi32> to vector<16x1xi32>
        %gather3A_527 = vector.shape_cast %reshape3A_526 : vector<16x1xi32> to vector<16xi32>
        %gather3A_528 = tpu.dynamic_gather %add3A_522[%gather3A_527] in [0] : vector<16xf32>, vector<16xi32> -> vector<16xf32>
        %add3A_529 = arith.addf %add3A_522, %gather3A_528 : vector<16xf32>
        %xor3A_530 = arith.constant 4 : i32
        %xor3A_531 = vector.broadcast %xor3A_530 : i32 to vector<16xi32>
        %xor3A_532 = arith.xori %iota3A_515, %xor3A_531 : vector<16xi32>
        %reshape3A_533 = vector.shape_cast %xor3A_532 : vector<16xi32> to vector<16x1xi32>
        %gather3A_534 = vector.shape_cast %reshape3A_533 : vector<16x1xi32> to vector<16xi32>
        %gather3A_535 = tpu.dynamic_gather %add3A_529[%gather3A_534] in [0] : vector<16xf32>, vector<16xi32> -> vector<16xf32>
        %add3A_536 = arith.addf %add3A_529, %gather3A_535 : vector<16xf32>
        %xor3A_537 = arith.constant 8 : i32
        %xor3A_538 = vector.broadcast %xor3A_537 : i32 to vector<16xi32>
        %xor3A_539 = arith.xori %iota3A_515, %xor3A_538 : vector<16xi32>
        %reshape3A_540 = vector.shape_cast %xor3A_539 : vector<16xi32> to vector<16x1xi32>
        %gather3A_541 = vector.shape_cast %reshape3A_540 : vector<16x1xi32> to vector<16xi32>
        %gather3A_542 = tpu.dynamic_gather %add3A_536[%gather3A_541] in [0] : vector<16xf32>, vector<16xi32> -> vector<16xf32>
        %add3A_543 = arith.addf %add3A_536, %gather3A_542 : vector<16xf32>
        %mul3A_544 = arith.constant 0.00130208337 : f32
        %mul3A_545 = vector.broadcast %mul3A_544 : f32 to vector<16xf32>
        %mul3A_546 = arith.mulf %add3A_543, %mul3A_545 : vector<16xf32>
        %mul3A_547 = arith.mulf %mul3A_514, %mul3A_514 : vector<16xf32>
        %sub3A_548 = arith.subf %mul3A_546, %mul3A_547 : vector<16xf32>
        %add3A_549 = arith.constant 1.000000e-10 : f32
        %add3A_550 = vector.broadcast %add3A_549 : f32 to vector<16xf32>
        %add3A_551 = arith.addf %sub3A_548, %add3A_550 : vector<16xf32>
        %bitcast_convert_type3A_552 = tpu.bitcast %add3A_551 : vector<16xf32> -> vector<16xi32>
        %shift_right_logical3A_553 = arith.constant 1 : i32
        %shift_right_logical3A_554 = vector.broadcast %shift_right_logical3A_553 : i32 to vector<16xi32>
        %shift_right_logical3A_555 = arith.shrui %bitcast_convert_type3A_552, %shift_right_logical3A_554 : vector<16xi32>
        %sub3A_556 = arith.constant 1597463007 : i32
        %sub3A_557 = vector.broadcast %sub3A_556 : i32 to vector<16xi32>
        %sub3A_558 = arith.subi %sub3A_557, %shift_right_logical3A_555 : vector<16xi32>
        %bitcast_convert_type3A_559 = tpu.bitcast %sub3A_558 : vector<16xi32> -> vector<16xf32>
        %mul3A_560 = arith.constant 5.000000e-01 : f32
        %mul3A_561 = vector.broadcast %mul3A_560 : f32 to vector<16xf32>
        %mul3A_562 = arith.mulf %mul3A_561, %add3A_551 : vector<16xf32>
        %mul3A_563 = arith.mulf %mul3A_562, %bitcast_convert_type3A_559 : vector<16xf32>
        %mul3A_564 = arith.mulf %mul3A_563, %bitcast_convert_type3A_559 : vector<16xf32>
        %sub3A_565 = arith.constant 1.500000e+00 : f32
        %sub3A_566 = vector.broadcast %sub3A_565 : f32 to vector<16xf32>
        %sub3A_567 = arith.subf %sub3A_566, %mul3A_564 : vector<16xf32>
        %mul3A_568 = arith.mulf %bitcast_convert_type3A_559, %sub3A_567 : vector<16xf32>
        %mul3A_569 = arith.constant 5.000000e-01 : f32
        %mul3A_570 = vector.broadcast %mul3A_569 : f32 to vector<16xf32>
        %mul3A_571 = arith.mulf %mul3A_570, %add3A_551 : vector<16xf32>
        %mul3A_572 = arith.mulf %mul3A_571, %mul3A_568 : vector<16xf32>
        %mul3A_573 = arith.mulf %mul3A_572, %mul3A_568 : vector<16xf32>
        %sub3A_574 = arith.constant 1.500000e+00 : f32
        %sub3A_575 = vector.broadcast %sub3A_574 : f32 to vector<16xf32>
        %sub3A_576 = arith.subf %sub3A_575, %mul3A_573 : vector<16xf32>
        %mul3A_577 = arith.mulf %mul3A_568, %sub3A_576 : vector<16xf32>
        %mul3A_578 = arith.constant 5.000000e-01 : f32
        %mul3A_579 = vector.broadcast %mul3A_578 : f32 to vector<16xf32>
        %mul3A_580 = arith.mulf %mul3A_579, %add3A_551 : vector<16xf32>
        %mul3A_581 = arith.mulf %mul3A_580, %mul3A_577 : vector<16xf32>
        %mul3A_582 = arith.mulf %mul3A_581, %mul3A_577 : vector<16xf32>
        %sub3A_583 = arith.constant 1.500000e+00 : f32
        %sub3A_584 = vector.broadcast %sub3A_583 : f32 to vector<16xf32>
        %sub3A_585 = arith.subf %sub3A_584, %mul3A_582 : vector<16xf32>
        %mul3A_586 = arith.mulf %mul3A_577, %sub3A_585 : vector<16xf32>
        %iota3A_587 = tpu.iota {dimensions = array<i32: 0>} : vector<16xi32>
        %xor3A_588 = arith.constant 1 : i32
        %xor3A_589 = vector.broadcast %xor3A_588 : i32 to vector<16xi32>
        %xor3A_590 = arith.xori %iota3A_587, %xor3A_589 : vector<16xi32>
        %reshape3A_591 = vector.shape_cast %xor3A_590 : vector<16xi32> to vector<16x1xi32>
        %gather3A_592 = vector.shape_cast %reshape3A_591 : vector<16x1xi32> to vector<16xi32>
        %gather3A_593 = tpu.dynamic_gather %parallel_loop3A_176#4[%gather3A_592] in [0] : vector<16xf32>, vector<16xi32> -> vector<16xf32>
        %add3A_594 = arith.addf %parallel_loop3A_176#4, %gather3A_593 : vector<16xf32>
        %xor3A_595 = arith.constant 2 : i32
        %xor3A_596 = vector.broadcast %xor3A_595 : i32 to vector<16xi32>
        %xor3A_597 = arith.xori %iota3A_587, %xor3A_596 : vector<16xi32>
        %reshape3A_598 = vector.shape_cast %xor3A_597 : vector<16xi32> to vector<16x1xi32>
        %gather3A_599 = vector.shape_cast %reshape3A_598 : vector<16x1xi32> to vector<16xi32>
        %gather3A_600 = tpu.dynamic_gather %add3A_594[%gather3A_599] in [0] : vector<16xf32>, vector<16xi32> -> vector<16xf32>
        %add3A_601 = arith.addf %add3A_594, %gather3A_600 : vector<16xf32>
        %xor3A_602 = arith.constant 4 : i32
        %xor3A_603 = vector.broadcast %xor3A_602 : i32 to vector<16xi32>
        %xor3A_604 = arith.xori %iota3A_587, %xor3A_603 : vector<16xi32>
        %reshape3A_605 = vector.shape_cast %xor3A_604 : vector<16xi32> to vector<16x1xi32>
        %gather3A_606 = vector.shape_cast %reshape3A_605 : vector<16x1xi32> to vector<16xi32>
        %gather3A_607 = tpu.dynamic_gather %add3A_601[%gather3A_606] in [0] : vector<16xf32>, vector<16xi32> -> vector<16xf32>
        %add3A_608 = arith.addf %add3A_601, %gather3A_607 : vector<16xf32>
        %xor3A_609 = arith.constant 8 : i32
        %xor3A_610 = vector.broadcast %xor3A_609 : i32 to vector<16xi32>
        %xor3A_611 = arith.xori %iota3A_587, %xor3A_610 : vector<16xi32>
        %reshape3A_612 = vector.shape_cast %xor3A_611 : vector<16xi32> to vector<16x1xi32>
        %gather3A_613 = vector.shape_cast %reshape3A_612 : vector<16x1xi32> to vector<16xi32>
        %gather3A_614 = tpu.dynamic_gather %add3A_608[%gather3A_613] in [0] : vector<16xf32>, vector<16xi32> -> vector<16xf32>
        %add3A_615 = arith.addf %add3A_608, %gather3A_614 : vector<16xf32>
        %mul3A_616 = arith.constant 0.00130208337 : f32
        %mul3A_617 = vector.broadcast %mul3A_616 : f32 to vector<16xf32>
        %mul3A_618 = arith.mulf %add3A_615, %mul3A_617 : vector<16xf32>
        %iota3A_619 = tpu.iota {dimensions = array<i32: 0>} : vector<16xi32>
        %xor3A_620 = arith.constant 1 : i32
        %xor3A_621 = vector.broadcast %xor3A_620 : i32 to vector<16xi32>
        %xor3A_622 = arith.xori %iota3A_619, %xor3A_621 : vector<16xi32>
        %reshape3A_623 = vector.shape_cast %xor3A_622 : vector<16xi32> to vector<16x1xi32>
        %gather3A_624 = vector.shape_cast %reshape3A_623 : vector<16x1xi32> to vector<16xi32>
        %gather3A_625 = tpu.dynamic_gather %parallel_loop3A_176#12[%gather3A_624] in [0] : vector<16xf32>, vector<16xi32> -> vector<16xf32>
        %add3A_626 = arith.addf %parallel_loop3A_176#12, %gather3A_625 : vector<16xf32>
        %xor3A_627 = arith.constant 2 : i32
        %xor3A_628 = vector.broadcast %xor3A_627 : i32 to vector<16xi32>
        %xor3A_629 = arith.xori %iota3A_619, %xor3A_628 : vector<16xi32>
        %reshape3A_630 = vector.shape_cast %xor3A_629 : vector<16xi32> to vector<16x1xi32>
        %gather3A_631 = vector.shape_cast %reshape3A_630 : vector<16x1xi32> to vector<16xi32>
        %gather3A_632 = tpu.dynamic_gather %add3A_626[%gather3A_631] in [0] : vector<16xf32>, vector<16xi32> -> vector<16xf32>
        %add3A_633 = arith.addf %add3A_626, %gather3A_632 : vector<16xf32>
        %xor3A_634 = arith.constant 4 : i32
        %xor3A_635 = vector.broadcast %xor3A_634 : i32 to vector<16xi32>
        %xor3A_636 = arith.xori %iota3A_619, %xor3A_635 : vector<16xi32>
        %reshape3A_637 = vector.shape_cast %xor3A_636 : vector<16xi32> to vector<16x1xi32>
        %gather3A_638 = vector.shape_cast %reshape3A_637 : vector<16x1xi32> to vector<16xi32>
        %gather3A_639 = tpu.dynamic_gather %add3A_633[%gather3A_638] in [0] : vector<16xf32>, vector<16xi32> -> vector<16xf32>
        %add3A_640 = arith.addf %add3A_633, %gather3A_639 : vector<16xf32>
        %xor3A_641 = arith.constant 8 : i32
        %xor3A_642 = vector.broadcast %xor3A_641 : i32 to vector<16xi32>
        %xor3A_643 = arith.xori %iota3A_619, %xor3A_642 : vector<16xi32>
        %reshape3A_644 = vector.shape_cast %xor3A_643 : vector<16xi32> to vector<16x1xi32>
        %gather3A_645 = vector.shape_cast %reshape3A_644 : vector<16x1xi32> to vector<16xi32>
        %gather3A_646 = tpu.dynamic_gather %add3A_640[%gather3A_645] in [0] : vector<16xf32>, vector<16xi32> -> vector<16xf32>
        %add3A_647 = arith.addf %add3A_640, %gather3A_646 : vector<16xf32>
        %mul3A_648 = arith.constant 0.00130208337 : f32
        %mul3A_649 = vector.broadcast %mul3A_648 : f32 to vector<16xf32>
        %mul3A_650 = arith.mulf %add3A_647, %mul3A_649 : vector<16xf32>
        %mul3A_651 = arith.mulf %mul3A_618, %mul3A_618 : vector<16xf32>
        %sub3A_652 = arith.subf %mul3A_650, %mul3A_651 : vector<16xf32>
        %add3A_653 = arith.constant 1.000000e-10 : f32
        %add3A_654 = vector.broadcast %add3A_653 : f32 to vector<16xf32>
        %add3A_655 = arith.addf %sub3A_652, %add3A_654 : vector<16xf32>
        %bitcast_convert_type3A_656 = tpu.bitcast %add3A_655 : vector<16xf32> -> vector<16xi32>
        %shift_right_logical3A_657 = arith.constant 1 : i32
        %shift_right_logical3A_658 = vector.broadcast %shift_right_logical3A_657 : i32 to vector<16xi32>
        %shift_right_logical3A_659 = arith.shrui %bitcast_convert_type3A_656, %shift_right_logical3A_658 : vector<16xi32>
        %sub3A_660 = arith.constant 1597463007 : i32
        %sub3A_661 = vector.broadcast %sub3A_660 : i32 to vector<16xi32>
        %sub3A_662 = arith.subi %sub3A_661, %shift_right_logical3A_659 : vector<16xi32>
        %bitcast_convert_type3A_663 = tpu.bitcast %sub3A_662 : vector<16xi32> -> vector<16xf32>
        %mul3A_664 = arith.constant 5.000000e-01 : f32
        %mul3A_665 = vector.broadcast %mul3A_664 : f32 to vector<16xf32>
        %mul3A_666 = arith.mulf %mul3A_665, %add3A_655 : vector<16xf32>
        %mul3A_667 = arith.mulf %mul3A_666, %bitcast_convert_type3A_663 : vector<16xf32>
        %mul3A_668 = arith.mulf %mul3A_667, %bitcast_convert_type3A_663 : vector<16xf32>
        %sub3A_669 = arith.constant 1.500000e+00 : f32
        %sub3A_670 = vector.broadcast %sub3A_669 : f32 to vector<16xf32>
        %sub3A_671 = arith.subf %sub3A_670, %mul3A_668 : vector<16xf32>
        %mul3A_672 = arith.mulf %bitcast_convert_type3A_663, %sub3A_671 : vector<16xf32>
        %mul3A_673 = arith.constant 5.000000e-01 : f32
        %mul3A_674 = vector.broadcast %mul3A_673 : f32 to vector<16xf32>
        %mul3A_675 = arith.mulf %mul3A_674, %add3A_655 : vector<16xf32>
        %mul3A_676 = arith.mulf %mul3A_675, %mul3A_672 : vector<16xf32>
        %mul3A_677 = arith.mulf %mul3A_676, %mul3A_672 : vector<16xf32>
        %sub3A_678 = arith.constant 1.500000e+00 : f32
        %sub3A_679 = vector.broadcast %sub3A_678 : f32 to vector<16xf32>
        %sub3A_680 = arith.subf %sub3A_679, %mul3A_677 : vector<16xf32>
        %mul3A_681 = arith.mulf %mul3A_672, %sub3A_680 : vector<16xf32>
        %mul3A_682 = arith.constant 5.000000e-01 : f32
        %mul3A_683 = vector.broadcast %mul3A_682 : f32 to vector<16xf32>
        %mul3A_684 = arith.mulf %mul3A_683, %add3A_655 : vector<16xf32>
        %mul3A_685 = arith.mulf %mul3A_684, %mul3A_681 : vector<16xf32>
        %mul3A_686 = arith.mulf %mul3A_685, %mul3A_681 : vector<16xf32>
        %sub3A_687 = arith.constant 1.500000e+00 : f32
        %sub3A_688 = vector.broadcast %sub3A_687 : f32 to vector<16xf32>
        %sub3A_689 = arith.subf %sub3A_688, %mul3A_686 : vector<16xf32>
        %mul3A_690 = arith.mulf %mul3A_681, %sub3A_689 : vector<16xf32>
        %iota3A_691 = tpu.iota {dimensions = array<i32: 0>} : vector<16xi32>
        %xor3A_692 = arith.constant 1 : i32
        %xor3A_693 = vector.broadcast %xor3A_692 : i32 to vector<16xi32>
        %xor3A_694 = arith.xori %iota3A_691, %xor3A_693 : vector<16xi32>
        %reshape3A_695 = vector.shape_cast %xor3A_694 : vector<16xi32> to vector<16x1xi32>
        %gather3A_696 = vector.shape_cast %reshape3A_695 : vector<16x1xi32> to vector<16xi32>
        %gather3A_697 = tpu.dynamic_gather %parallel_loop3A_176#5[%gather3A_696] in [0] : vector<16xf32>, vector<16xi32> -> vector<16xf32>
        %add3A_698 = arith.addf %parallel_loop3A_176#5, %gather3A_697 : vector<16xf32>
        %xor3A_699 = arith.constant 2 : i32
        %xor3A_700 = vector.broadcast %xor3A_699 : i32 to vector<16xi32>
        %xor3A_701 = arith.xori %iota3A_691, %xor3A_700 : vector<16xi32>
        %reshape3A_702 = vector.shape_cast %xor3A_701 : vector<16xi32> to vector<16x1xi32>
        %gather3A_703 = vector.shape_cast %reshape3A_702 : vector<16x1xi32> to vector<16xi32>
        %gather3A_704 = tpu.dynamic_gather %add3A_698[%gather3A_703] in [0] : vector<16xf32>, vector<16xi32> -> vector<16xf32>
        %add3A_705 = arith.addf %add3A_698, %gather3A_704 : vector<16xf32>
        %xor3A_706 = arith.constant 4 : i32
        %xor3A_707 = vector.broadcast %xor3A_706 : i32 to vector<16xi32>
        %xor3A_708 = arith.xori %iota3A_691, %xor3A_707 : vector<16xi32>
        %reshape3A_709 = vector.shape_cast %xor3A_708 : vector<16xi32> to vector<16x1xi32>
        %gather3A_710 = vector.shape_cast %reshape3A_709 : vector<16x1xi32> to vector<16xi32>
        %gather3A_711 = tpu.dynamic_gather %add3A_705[%gather3A_710] in [0] : vector<16xf32>, vector<16xi32> -> vector<16xf32>
        %add3A_712 = arith.addf %add3A_705, %gather3A_711 : vector<16xf32>
        %xor3A_713 = arith.constant 8 : i32
        %xor3A_714 = vector.broadcast %xor3A_713 : i32 to vector<16xi32>
        %xor3A_715 = arith.xori %iota3A_691, %xor3A_714 : vector<16xi32>
        %reshape3A_716 = vector.shape_cast %xor3A_715 : vector<16xi32> to vector<16x1xi32>
        %gather3A_717 = vector.shape_cast %reshape3A_716 : vector<16x1xi32> to vector<16xi32>
        %gather3A_718 = tpu.dynamic_gather %add3A_712[%gather3A_717] in [0] : vector<16xf32>, vector<16xi32> -> vector<16xf32>
        %add3A_719 = arith.addf %add3A_712, %gather3A_718 : vector<16xf32>
        %mul3A_720 = arith.constant 0.00130208337 : f32
        %mul3A_721 = vector.broadcast %mul3A_720 : f32 to vector<16xf32>
        %mul3A_722 = arith.mulf %add3A_719, %mul3A_721 : vector<16xf32>
        %iota3A_723 = tpu.iota {dimensions = array<i32: 0>} : vector<16xi32>
        %xor3A_724 = arith.constant 1 : i32
        %xor3A_725 = vector.broadcast %xor3A_724 : i32 to vector<16xi32>
        %xor3A_726 = arith.xori %iota3A_723, %xor3A_725 : vector<16xi32>
        %reshape3A_727 = vector.shape_cast %xor3A_726 : vector<16xi32> to vector<16x1xi32>
        %gather3A_728 = vector.shape_cast %reshape3A_727 : vector<16x1xi32> to vector<16xi32>
        %gather3A_729 = tpu.dynamic_gather %parallel_loop3A_176#13[%gather3A_728] in [0] : vector<16xf32>, vector<16xi32> -> vector<16xf32>
        %add3A_730 = arith.addf %parallel_loop3A_176#13, %gather3A_729 : vector<16xf32>
        %xor3A_731 = arith.constant 2 : i32
        %xor3A_732 = vector.broadcast %xor3A_731 : i32 to vector<16xi32>
        %xor3A_733 = arith.xori %iota3A_723, %xor3A_732 : vector<16xi32>
        %reshape3A_734 = vector.shape_cast %xor3A_733 : vector<16xi32> to vector<16x1xi32>
        %gather3A_735 = vector.shape_cast %reshape3A_734 : vector<16x1xi32> to vector<16xi32>
        %gather3A_736 = tpu.dynamic_gather %add3A_730[%gather3A_735] in [0] : vector<16xf32>, vector<16xi32> -> vector<16xf32>
        %add3A_737 = arith.addf %add3A_730, %gather3A_736 : vector<16xf32>
        %xor3A_738 = arith.constant 4 : i32
        %xor3A_739 = vector.broadcast %xor3A_738 : i32 to vector<16xi32>
        %xor3A_740 = arith.xori %iota3A_723, %xor3A_739 : vector<16xi32>
        %reshape3A_741 = vector.shape_cast %xor3A_740 : vector<16xi32> to vector<16x1xi32>
        %gather3A_742 = vector.shape_cast %reshape3A_741 : vector<16x1xi32> to vector<16xi32>
        %gather3A_743 = tpu.dynamic_gather %add3A_737[%gather3A_742] in [0] : vector<16xf32>, vector<16xi32> -> vector<16xf32>
        %add3A_744 = arith.addf %add3A_737, %gather3A_743 : vector<16xf32>
        %xor3A_745 = arith.constant 8 : i32
        %xor3A_746 = vector.broadcast %xor3A_745 : i32 to vector<16xi32>
        %xor3A_747 = arith.xori %iota3A_723, %xor3A_746 : vector<16xi32>
        %reshape3A_748 = vector.shape_cast %xor3A_747 : vector<16xi32> to vector<16x1xi32>
        %gather3A_749 = vector.shape_cast %reshape3A_748 : vector<16x1xi32> to vector<16xi32>
        %gather3A_750 = tpu.dynamic_gather %add3A_744[%gather3A_749] in [0] : vector<16xf32>, vector<16xi32> -> vector<16xf32>
        %add3A_751 = arith.addf %add3A_744, %gather3A_750 : vector<16xf32>
        %mul3A_752 = arith.constant 0.00130208337 : f32
        %mul3A_753 = vector.broadcast %mul3A_752 : f32 to vector<16xf32>
        %mul3A_754 = arith.mulf %add3A_751, %mul3A_753 : vector<16xf32>
        %mul3A_755 = arith.mulf %mul3A_722, %mul3A_722 : vector<16xf32>
        %sub3A_756 = arith.subf %mul3A_754, %mul3A_755 : vector<16xf32>
        %add3A_757 = arith.constant 1.000000e-10 : f32
        %add3A_758 = vector.broadcast %add3A_757 : f32 to vector<16xf32>
        %add3A_759 = arith.addf %sub3A_756, %add3A_758 : vector<16xf32>
        %bitcast_convert_type3A_760 = tpu.bitcast %add3A_759 : vector<16xf32> -> vector<16xi32>
        %shift_right_logical3A_761 = arith.constant 1 : i32
        %shift_right_logical3A_762 = vector.broadcast %shift_right_logical3A_761 : i32 to vector<16xi32>
        %shift_right_logical3A_763 = arith.shrui %bitcast_convert_type3A_760, %shift_right_logical3A_762 : vector<16xi32>
        %sub3A_764 = arith.constant 1597463007 : i32
        %sub3A_765 = vector.broadcast %sub3A_764 : i32 to vector<16xi32>
        %sub3A_766 = arith.subi %sub3A_765, %shift_right_logical3A_763 : vector<16xi32>
        %bitcast_convert_type3A_767 = tpu.bitcast %sub3A_766 : vector<16xi32> -> vector<16xf32>
        %mul3A_768 = arith.constant 5.000000e-01 : f32
        %mul3A_769 = vector.broadcast %mul3A_768 : f32 to vector<16xf32>
        %mul3A_770 = arith.mulf %mul3A_769, %add3A_759 : vector<16xf32>
        %mul3A_771 = arith.mulf %mul3A_770, %bitcast_convert_type3A_767 : vector<16xf32>
        %mul3A_772 = arith.mulf %mul3A_771, %bitcast_convert_type3A_767 : vector<16xf32>
        %sub3A_773 = arith.constant 1.500000e+00 : f32
        %sub3A_774 = vector.broadcast %sub3A_773 : f32 to vector<16xf32>
        %sub3A_775 = arith.subf %sub3A_774, %mul3A_772 : vector<16xf32>
        %mul3A_776 = arith.mulf %bitcast_convert_type3A_767, %sub3A_775 : vector<16xf32>
        %mul3A_777 = arith.constant 5.000000e-01 : f32
        %mul3A_778 = vector.broadcast %mul3A_777 : f32 to vector<16xf32>
        %mul3A_779 = arith.mulf %mul3A_778, %add3A_759 : vector<16xf32>
        %mul3A_780 = arith.mulf %mul3A_779, %mul3A_776 : vector<16xf32>
        %mul3A_781 = arith.mulf %mul3A_780, %mul3A_776 : vector<16xf32>
        %sub3A_782 = arith.constant 1.500000e+00 : f32
        %sub3A_783 = vector.broadcast %sub3A_782 : f32 to vector<16xf32>
        %sub3A_784 = arith.subf %sub3A_783, %mul3A_781 : vector<16xf32>
        %mul3A_785 = arith.mulf %mul3A_776, %sub3A_784 : vector<16xf32>
        %mul3A_786 = arith.constant 5.000000e-01 : f32
        %mul3A_787 = vector.broadcast %mul3A_786 : f32 to vector<16xf32>
        %mul3A_788 = arith.mulf %mul3A_787, %add3A_759 : vector<16xf32>
        %mul3A_789 = arith.mulf %mul3A_788, %mul3A_785 : vector<16xf32>
        %mul3A_790 = arith.mulf %mul3A_789, %mul3A_785 : vector<16xf32>
        %sub3A_791 = arith.constant 1.500000e+00 : f32
        %sub3A_792 = vector.broadcast %sub3A_791 : f32 to vector<16xf32>
        %sub3A_793 = arith.subf %sub3A_792, %mul3A_790 : vector<16xf32>
        %mul3A_794 = arith.mulf %mul3A_785, %sub3A_793 : vector<16xf32>
        %iota3A_795 = tpu.iota {dimensions = array<i32: 0>} : vector<16xi32>
        %xor3A_796 = arith.constant 1 : i32
        %xor3A_797 = vector.broadcast %xor3A_796 : i32 to vector<16xi32>
        %xor3A_798 = arith.xori %iota3A_795, %xor3A_797 : vector<16xi32>
        %reshape3A_799 = vector.shape_cast %xor3A_798 : vector<16xi32> to vector<16x1xi32>
        %gather3A_800 = vector.shape_cast %reshape3A_799 : vector<16x1xi32> to vector<16xi32>
        %gather3A_801 = tpu.dynamic_gather %parallel_loop3A_176#6[%gather3A_800] in [0] : vector<16xf32>, vector<16xi32> -> vector<16xf32>
        %add3A_802 = arith.addf %parallel_loop3A_176#6, %gather3A_801 : vector<16xf32>
        %xor3A_803 = arith.constant 2 : i32
        %xor3A_804 = vector.broadcast %xor3A_803 : i32 to vector<16xi32>
        %xor3A_805 = arith.xori %iota3A_795, %xor3A_804 : vector<16xi32>
        %reshape3A_806 = vector.shape_cast %xor3A_805 : vector<16xi32> to vector<16x1xi32>
        %gather3A_807 = vector.shape_cast %reshape3A_806 : vector<16x1xi32> to vector<16xi32>
        %gather3A_808 = tpu.dynamic_gather %add3A_802[%gather3A_807] in [0] : vector<16xf32>, vector<16xi32> -> vector<16xf32>
        %add3A_809 = arith.addf %add3A_802, %gather3A_808 : vector<16xf32>
        %xor3A_810 = arith.constant 4 : i32
        %xor3A_811 = vector.broadcast %xor3A_810 : i32 to vector<16xi32>
        %xor3A_812 = arith.xori %iota3A_795, %xor3A_811 : vector<16xi32>
        %reshape3A_813 = vector.shape_cast %xor3A_812 : vector<16xi32> to vector<16x1xi32>
        %gather3A_814 = vector.shape_cast %reshape3A_813 : vector<16x1xi32> to vector<16xi32>
        %gather3A_815 = tpu.dynamic_gather %add3A_809[%gather3A_814] in [0] : vector<16xf32>, vector<16xi32> -> vector<16xf32>
        %add3A_816 = arith.addf %add3A_809, %gather3A_815 : vector<16xf32>
        %xor3A_817 = arith.constant 8 : i32
        %xor3A_818 = vector.broadcast %xor3A_817 : i32 to vector<16xi32>
        %xor3A_819 = arith.xori %iota3A_795, %xor3A_818 : vector<16xi32>
        %reshape3A_820 = vector.shape_cast %xor3A_819 : vector<16xi32> to vector<16x1xi32>
        %gather3A_821 = vector.shape_cast %reshape3A_820 : vector<16x1xi32> to vector<16xi32>
        %gather3A_822 = tpu.dynamic_gather %add3A_816[%gather3A_821] in [0] : vector<16xf32>, vector<16xi32> -> vector<16xf32>
        %add3A_823 = arith.addf %add3A_816, %gather3A_822 : vector<16xf32>
        %mul3A_824 = arith.constant 0.00130208337 : f32
        %mul3A_825 = vector.broadcast %mul3A_824 : f32 to vector<16xf32>
        %mul3A_826 = arith.mulf %add3A_823, %mul3A_825 : vector<16xf32>
        %iota3A_827 = tpu.iota {dimensions = array<i32: 0>} : vector<16xi32>
        %xor3A_828 = arith.constant 1 : i32
        %xor3A_829 = vector.broadcast %xor3A_828 : i32 to vector<16xi32>
        %xor3A_830 = arith.xori %iota3A_827, %xor3A_829 : vector<16xi32>
        %reshape3A_831 = vector.shape_cast %xor3A_830 : vector<16xi32> to vector<16x1xi32>
        %gather3A_832 = vector.shape_cast %reshape3A_831 : vector<16x1xi32> to vector<16xi32>
        %gather3A_833 = tpu.dynamic_gather %parallel_loop3A_176#14[%gather3A_832] in [0] : vector<16xf32>, vector<16xi32> -> vector<16xf32>
        %add3A_834 = arith.addf %parallel_loop3A_176#14, %gather3A_833 : vector<16xf32>
        %xor3A_835 = arith.constant 2 : i32
        %xor3A_836 = vector.broadcast %xor3A_835 : i32 to vector<16xi32>
        %xor3A_837 = arith.xori %iota3A_827, %xor3A_836 : vector<16xi32>
        %reshape3A_838 = vector.shape_cast %xor3A_837 : vector<16xi32> to vector<16x1xi32>
        %gather3A_839 = vector.shape_cast %reshape3A_838 : vector<16x1xi32> to vector<16xi32>
        %gather3A_840 = tpu.dynamic_gather %add3A_834[%gather3A_839] in [0] : vector<16xf32>, vector<16xi32> -> vector<16xf32>
        %add3A_841 = arith.addf %add3A_834, %gather3A_840 : vector<16xf32>
        %xor3A_842 = arith.constant 4 : i32
        %xor3A_843 = vector.broadcast %xor3A_842 : i32 to vector<16xi32>
        %xor3A_844 = arith.xori %iota3A_827, %xor3A_843 : vector<16xi32>
        %reshape3A_845 = vector.shape_cast %xor3A_844 : vector<16xi32> to vector<16x1xi32>
        %gather3A_846 = vector.shape_cast %reshape3A_845 : vector<16x1xi32> to vector<16xi32>
        %gather3A_847 = tpu.dynamic_gather %add3A_841[%gather3A_846] in [0] : vector<16xf32>, vector<16xi32> -> vector<16xf32>
        %add3A_848 = arith.addf %add3A_841, %gather3A_847 : vector<16xf32>
        %xor3A_849 = arith.constant 8 : i32
        %xor3A_850 = vector.broadcast %xor3A_849 : i32 to vector<16xi32>
        %xor3A_851 = arith.xori %iota3A_827, %xor3A_850 : vector<16xi32>
        %reshape3A_852 = vector.shape_cast %xor3A_851 : vector<16xi32> to vector<16x1xi32>
        %gather3A_853 = vector.shape_cast %reshape3A_852 : vector<16x1xi32> to vector<16xi32>
        %gather3A_854 = tpu.dynamic_gather %add3A_848[%gather3A_853] in [0] : vector<16xf32>, vector<16xi32> -> vector<16xf32>
        %add3A_855 = arith.addf %add3A_848, %gather3A_854 : vector<16xf32>
        %mul3A_856 = arith.constant 0.00130208337 : f32
        %mul3A_857 = vector.broadcast %mul3A_856 : f32 to vector<16xf32>
        %mul3A_858 = arith.mulf %add3A_855, %mul3A_857 : vector<16xf32>
        %mul3A_859 = arith.mulf %mul3A_826, %mul3A_826 : vector<16xf32>
        %sub3A_860 = arith.subf %mul3A_858, %mul3A_859 : vector<16xf32>
        %add3A_861 = arith.constant 1.000000e-10 : f32
        %add3A_862 = vector.broadcast %add3A_861 : f32 to vector<16xf32>
        %add3A_863 = arith.addf %sub3A_860, %add3A_862 : vector<16xf32>
        %bitcast_convert_type3A_864 = tpu.bitcast %add3A_863 : vector<16xf32> -> vector<16xi32>
        %shift_right_logical3A_865 = arith.constant 1 : i32
        %shift_right_logical3A_866 = vector.broadcast %shift_right_logical3A_865 : i32 to vector<16xi32>
        %shift_right_logical3A_867 = arith.shrui %bitcast_convert_type3A_864, %shift_right_logical3A_866 : vector<16xi32>
        %sub3A_868 = arith.constant 1597463007 : i32
        %sub3A_869 = vector.broadcast %sub3A_868 : i32 to vector<16xi32>
        %sub3A_870 = arith.subi %sub3A_869, %shift_right_logical3A_867 : vector<16xi32>
        %bitcast_convert_type3A_871 = tpu.bitcast %sub3A_870 : vector<16xi32> -> vector<16xf32>
        %mul3A_872 = arith.constant 5.000000e-01 : f32
        %mul3A_873 = vector.broadcast %mul3A_872 : f32 to vector<16xf32>
        %mul3A_874 = arith.mulf %mul3A_873, %add3A_863 : vector<16xf32>
        %mul3A_875 = arith.mulf %mul3A_874, %bitcast_convert_type3A_871 : vector<16xf32>
        %mul3A_876 = arith.mulf %mul3A_875, %bitcast_convert_type3A_871 : vector<16xf32>
        %sub3A_877 = arith.constant 1.500000e+00 : f32
        %sub3A_878 = vector.broadcast %sub3A_877 : f32 to vector<16xf32>
        %sub3A_879 = arith.subf %sub3A_878, %mul3A_876 : vector<16xf32>
        %mul3A_880 = arith.mulf %bitcast_convert_type3A_871, %sub3A_879 : vector<16xf32>
        %mul3A_881 = arith.constant 5.000000e-01 : f32
        %mul3A_882 = vector.broadcast %mul3A_881 : f32 to vector<16xf32>
        %mul3A_883 = arith.mulf %mul3A_882, %add3A_863 : vector<16xf32>
        %mul3A_884 = arith.mulf %mul3A_883, %mul3A_880 : vector<16xf32>
        %mul3A_885 = arith.mulf %mul3A_884, %mul3A_880 : vector<16xf32>
        %sub3A_886 = arith.constant 1.500000e+00 : f32
        %sub3A_887 = vector.broadcast %sub3A_886 : f32 to vector<16xf32>
        %sub3A_888 = arith.subf %sub3A_887, %mul3A_885 : vector<16xf32>
        %mul3A_889 = arith.mulf %mul3A_880, %sub3A_888 : vector<16xf32>
        %mul3A_890 = arith.constant 5.000000e-01 : f32
        %mul3A_891 = vector.broadcast %mul3A_890 : f32 to vector<16xf32>
        %mul3A_892 = arith.mulf %mul3A_891, %add3A_863 : vector<16xf32>
        %mul3A_893 = arith.mulf %mul3A_892, %mul3A_889 : vector<16xf32>
        %mul3A_894 = arith.mulf %mul3A_893, %mul3A_889 : vector<16xf32>
        %sub3A_895 = arith.constant 1.500000e+00 : f32
        %sub3A_896 = vector.broadcast %sub3A_895 : f32 to vector<16xf32>
        %sub3A_897 = arith.subf %sub3A_896, %mul3A_894 : vector<16xf32>
        %mul3A_898 = arith.mulf %mul3A_889, %sub3A_897 : vector<16xf32>
        %iota3A_899 = tpu.iota {dimensions = array<i32: 0>} : vector<16xi32>
        %xor3A_900 = arith.constant 1 : i32
        %xor3A_901 = vector.broadcast %xor3A_900 : i32 to vector<16xi32>
        %xor3A_902 = arith.xori %iota3A_899, %xor3A_901 : vector<16xi32>
        %reshape3A_903 = vector.shape_cast %xor3A_902 : vector<16xi32> to vector<16x1xi32>
        %gather3A_904 = vector.shape_cast %reshape3A_903 : vector<16x1xi32> to vector<16xi32>
        %gather3A_905 = tpu.dynamic_gather %parallel_loop3A_176#7[%gather3A_904] in [0] : vector<16xf32>, vector<16xi32> -> vector<16xf32>
        %add3A_906 = arith.addf %parallel_loop3A_176#7, %gather3A_905 : vector<16xf32>
        %xor3A_907 = arith.constant 2 : i32
        %xor3A_908 = vector.broadcast %xor3A_907 : i32 to vector<16xi32>
        %xor3A_909 = arith.xori %iota3A_899, %xor3A_908 : vector<16xi32>
        %reshape3A_910 = vector.shape_cast %xor3A_909 : vector<16xi32> to vector<16x1xi32>
        %gather3A_911 = vector.shape_cast %reshape3A_910 : vector<16x1xi32> to vector<16xi32>
        %gather3A_912 = tpu.dynamic_gather %add3A_906[%gather3A_911] in [0] : vector<16xf32>, vector<16xi32> -> vector<16xf32>
        %add3A_913 = arith.addf %add3A_906, %gather3A_912 : vector<16xf32>
        %xor3A_914 = arith.constant 4 : i32
        %xor3A_915 = vector.broadcast %xor3A_914 : i32 to vector<16xi32>
        %xor3A_916 = arith.xori %iota3A_899, %xor3A_915 : vector<16xi32>
        %reshape3A_917 = vector.shape_cast %xor3A_916 : vector<16xi32> to vector<16x1xi32>
        %gather3A_918 = vector.shape_cast %reshape3A_917 : vector<16x1xi32> to vector<16xi32>
        %gather3A_919 = tpu.dynamic_gather %add3A_913[%gather3A_918] in [0] : vector<16xf32>, vector<16xi32> -> vector<16xf32>
        %add3A_920 = arith.addf %add3A_913, %gather3A_919 : vector<16xf32>
        %xor3A_921 = arith.constant 8 : i32
        %xor3A_922 = vector.broadcast %xor3A_921 : i32 to vector<16xi32>
        %xor3A_923 = arith.xori %iota3A_899, %xor3A_922 : vector<16xi32>
        %reshape3A_924 = vector.shape_cast %xor3A_923 : vector<16xi32> to vector<16x1xi32>
        %gather3A_925 = vector.shape_cast %reshape3A_924 : vector<16x1xi32> to vector<16xi32>
        %gather3A_926 = tpu.dynamic_gather %add3A_920[%gather3A_925] in [0] : vector<16xf32>, vector<16xi32> -> vector<16xf32>
        %add3A_927 = arith.addf %add3A_920, %gather3A_926 : vector<16xf32>
        %mul3A_928 = arith.constant 0.00130208337 : f32
        %mul3A_929 = vector.broadcast %mul3A_928 : f32 to vector<16xf32>
        %mul3A_930 = arith.mulf %add3A_927, %mul3A_929 : vector<16xf32>
        %iota3A_931 = tpu.iota {dimensions = array<i32: 0>} : vector<16xi32>
        %xor3A_932 = arith.constant 1 : i32
        %xor3A_933 = vector.broadcast %xor3A_932 : i32 to vector<16xi32>
        %xor3A_934 = arith.xori %iota3A_931, %xor3A_933 : vector<16xi32>
        %reshape3A_935 = vector.shape_cast %xor3A_934 : vector<16xi32> to vector<16x1xi32>
        %gather3A_936 = vector.shape_cast %reshape3A_935 : vector<16x1xi32> to vector<16xi32>
        %gather3A_937 = tpu.dynamic_gather %parallel_loop3A_176#15[%gather3A_936] in [0] : vector<16xf32>, vector<16xi32> -> vector<16xf32>
        %add3A_938 = arith.addf %parallel_loop3A_176#15, %gather3A_937 : vector<16xf32>
        %xor3A_939 = arith.constant 2 : i32
        %xor3A_940 = vector.broadcast %xor3A_939 : i32 to vector<16xi32>
        %xor3A_941 = arith.xori %iota3A_931, %xor3A_940 : vector<16xi32>
        %reshape3A_942 = vector.shape_cast %xor3A_941 : vector<16xi32> to vector<16x1xi32>
        %gather3A_943 = vector.shape_cast %reshape3A_942 : vector<16x1xi32> to vector<16xi32>
        %gather3A_944 = tpu.dynamic_gather %add3A_938[%gather3A_943] in [0] : vector<16xf32>, vector<16xi32> -> vector<16xf32>
        %add3A_945 = arith.addf %add3A_938, %gather3A_944 : vector<16xf32>
        %xor3A_946 = arith.constant 4 : i32
        %xor3A_947 = vector.broadcast %xor3A_946 : i32 to vector<16xi32>
        %xor3A_948 = arith.xori %iota3A_931, %xor3A_947 : vector<16xi32>
        %reshape3A_949 = vector.shape_cast %xor3A_948 : vector<16xi32> to vector<16x1xi32>
        %gather3A_950 = vector.shape_cast %reshape3A_949 : vector<16x1xi32> to vector<16xi32>
        %gather3A_951 = tpu.dynamic_gather %add3A_945[%gather3A_950] in [0] : vector<16xf32>, vector<16xi32> -> vector<16xf32>
        %add3A_952 = arith.addf %add3A_945, %gather3A_951 : vector<16xf32>
        %xor3A_953 = arith.constant 8 : i32
        %xor3A_954 = vector.broadcast %xor3A_953 : i32 to vector<16xi32>
        %xor3A_955 = arith.xori %iota3A_931, %xor3A_954 : vector<16xi32>
        %reshape3A_956 = vector.shape_cast %xor3A_955 : vector<16xi32> to vector<16x1xi32>
        %gather3A_957 = vector.shape_cast %reshape3A_956 : vector<16x1xi32> to vector<16xi32>
        %gather3A_958 = tpu.dynamic_gather %add3A_952[%gather3A_957] in [0] : vector<16xf32>, vector<16xi32> -> vector<16xf32>
        %add3A_959 = arith.addf %add3A_952, %gather3A_958 : vector<16xf32>
        %mul3A_960 = arith.constant 0.00130208337 : f32
        %mul3A_961 = vector.broadcast %mul3A_960 : f32 to vector<16xf32>
        %mul3A_962 = arith.mulf %add3A_959, %mul3A_961 : vector<16xf32>
        %mul3A_963 = arith.mulf %mul3A_930, %mul3A_930 : vector<16xf32>
        %sub3A_964 = arith.subf %mul3A_962, %mul3A_963 : vector<16xf32>
        %add3A_965 = arith.constant 1.000000e-10 : f32
        %add3A_966 = vector.broadcast %add3A_965 : f32 to vector<16xf32>
        %add3A_967 = arith.addf %sub3A_964, %add3A_966 : vector<16xf32>
        %bitcast_convert_type3A_968 = tpu.bitcast %add3A_967 : vector<16xf32> -> vector<16xi32>
        %shift_right_logical3A_969 = arith.constant 1 : i32
        %shift_right_logical3A_970 = vector.broadcast %shift_right_logical3A_969 : i32 to vector<16xi32>
        %shift_right_logical3A_971 = arith.shrui %bitcast_convert_type3A_968, %shift_right_logical3A_970 : vector<16xi32>
        %sub3A_972 = arith.constant 1597463007 : i32
        %sub3A_973 = vector.broadcast %sub3A_972 : i32 to vector<16xi32>
        %sub3A_974 = arith.subi %sub3A_973, %shift_right_logical3A_971 : vector<16xi32>
        %bitcast_convert_type3A_975 = tpu.bitcast %sub3A_974 : vector<16xi32> -> vector<16xf32>
        %mul3A_976 = arith.constant 5.000000e-01 : f32
        %mul3A_977 = vector.broadcast %mul3A_976 : f32 to vector<16xf32>
        %mul3A_978 = arith.mulf %mul3A_977, %add3A_967 : vector<16xf32>
        %mul3A_979 = arith.mulf %mul3A_978, %bitcast_convert_type3A_975 : vector<16xf32>
        %mul3A_980 = arith.mulf %mul3A_979, %bitcast_convert_type3A_975 : vector<16xf32>
        %sub3A_981 = arith.constant 1.500000e+00 : f32
        %sub3A_982 = vector.broadcast %sub3A_981 : f32 to vector<16xf32>
        %sub3A_983 = arith.subf %sub3A_982, %mul3A_980 : vector<16xf32>
        %mul3A_984 = arith.mulf %bitcast_convert_type3A_975, %sub3A_983 : vector<16xf32>
        %mul3A_985 = arith.constant 5.000000e-01 : f32
        %mul3A_986 = vector.broadcast %mul3A_985 : f32 to vector<16xf32>
        %mul3A_987 = arith.mulf %mul3A_986, %add3A_967 : vector<16xf32>
        %mul3A_988 = arith.mulf %mul3A_987, %mul3A_984 : vector<16xf32>
        %mul3A_989 = arith.mulf %mul3A_988, %mul3A_984 : vector<16xf32>
        %sub3A_990 = arith.constant 1.500000e+00 : f32
        %sub3A_991 = vector.broadcast %sub3A_990 : f32 to vector<16xf32>
        %sub3A_992 = arith.subf %sub3A_991, %mul3A_989 : vector<16xf32>
        %mul3A_993 = arith.mulf %mul3A_984, %sub3A_992 : vector<16xf32>
        %mul3A_994 = arith.constant 5.000000e-01 : f32
        %mul3A_995 = vector.broadcast %mul3A_994 : f32 to vector<16xf32>
        %mul3A_996 = arith.mulf %mul3A_995, %add3A_967 : vector<16xf32>
        %mul3A_997 = arith.mulf %mul3A_996, %mul3A_993 : vector<16xf32>
        %mul3A_998 = arith.mulf %mul3A_997, %mul3A_993 : vector<16xf32>
        %sub3A_999 = arith.constant 1.500000e+00 : f32
        %sub3A_1000 = vector.broadcast %sub3A_999 : f32 to vector<16xf32>
        %sub3A_1001 = arith.subf %sub3A_1000, %mul3A_998 : vector<16xf32>
        %mul3A_1002 = arith.mulf %mul3A_993, %sub3A_1001 : vector<16xf32>
        %parallel_loop3A_1003 = arith.constant 0 : i32
        %parallel_loop3A_1004 = arith.constant 768 : i32
        %parallel_loop3A_1005 = arith.constant 16 : i32
        scf.for %parallel_loop3A_1006 = %parallel_loop3A_1003 to %parallel_loop3A_1004 step %parallel_loop3A_1005  : i32 {
          %parallel_loop3A_1007 = arith.index_cast %parallel_loop3A_1006 : i32 to index
          %parallel_loop3A_1008 = tpu.vector_load %arg14[%parallel_loop3A_1007] {strides = array<i32>} : memref<768xf32, #tpu.memory_space<vmem>>, vector<16xf32>,
          %parallel_loop3A_1009 = vector.shape_cast %parallel_loop3A_1008 : vector<16xf32> to vector<16xf32>
          %parallel_loop3A_1010 = arith.index_cast %parallel_loop3A_1006 : i32 to index
          %parallel_loop3A_1011 = tpu.vector_load %arg15[%parallel_loop3A_1010] {strides = array<i32>} : memref<768xf32, #tpu.memory_space<vmem>>, vector<16xf32>,
          %parallel_loop3A_1012 = vector.shape_cast %parallel_loop3A_1011 : vector<16xf32> to vector<16xf32>
          %parallel_loop3A_1013 = arith.constant 0 : i32
          %parallel_loop3A_1014 = arith.addi %add3A_139, %parallel_loop3A_1013 : i32
          %parallel_loop3A_1015 = arith.index_cast %parallel_loop3A_1014 : i32 to index
          %parallel_loop3A_1016 = arith.index_cast %parallel_loop3A_1006 : i32 to index
          %parallel_loop3A_1017 = tpu.vector_load %arg10[%parallel_loop3A_1015, %parallel_loop3A_1016] {strides = array<i32>} : memref<32x768xf32, #tpu.memory_space<vmem>>, vector<1x16xf32>,
          %parallel_loop3A_1018 = vector.shape_cast %parallel_loop3A_1017 : vector<1x16xf32> to vector<16xf32>
          %parallel_loop3A_1019 = arith.constant 1 : i32
          %parallel_loop3A_1020 = arith.addi %add3A_139, %parallel_loop3A_1019 : i32
          %parallel_loop3A_1021 = arith.index_cast %parallel_loop3A_1020 : i32 to index
          %parallel_loop3A_1022 = arith.index_cast %parallel_loop3A_1006 : i32 to index
          %parallel_loop3A_1023 = tpu.vector_load %arg10[%parallel_loop3A_1021, %parallel_loop3A_1022] {strides = array<i32>} : memref<32x768xf32, #tpu.memory_space<vmem>>, vector<1x16xf32>,
          %parallel_loop3A_1024 = vector.shape_cast %parallel_loop3A_1023 : vector<1x16xf32> to vector<16xf32>
          %parallel_loop3A_1025 = arith.constant 2 : i32
          %parallel_loop3A_1026 = arith.addi %add3A_139, %parallel_loop3A_1025 : i32
          %parallel_loop3A_1027 = arith.index_cast %parallel_loop3A_1026 : i32 to index
          %parallel_loop3A_1028 = arith.index_cast %parallel_loop3A_1006 : i32 to index
          %parallel_loop3A_1029 = tpu.vector_load %arg10[%parallel_loop3A_1027, %parallel_loop3A_1028] {strides = array<i32>} : memref<32x768xf32, #tpu.memory_space<vmem>>, vector<1x16xf32>,
          %parallel_loop3A_1030 = vector.shape_cast %parallel_loop3A_1029 : vector<1x16xf32> to vector<16xf32>
          %parallel_loop3A_1031 = arith.constant 3 : i32
          %parallel_loop3A_1032 = arith.addi %add3A_139, %parallel_loop3A_1031 : i32
          %parallel_loop3A_1033 = arith.index_cast %parallel_loop3A_1032 : i32 to index
          %parallel_loop3A_1034 = arith.index_cast %parallel_loop3A_1006 : i32 to index
          %parallel_loop3A_1035 = tpu.vector_load %arg10[%parallel_loop3A_1033, %parallel_loop3A_1034] {strides = array<i32>} : memref<32x768xf32, #tpu.memory_space<vmem>>, vector<1x16xf32>,
          %parallel_loop3A_1036 = vector.shape_cast %parallel_loop3A_1035 : vector<1x16xf32> to vector<16xf32>
          %parallel_loop3A_1037 = arith.constant 4 : i32
          %parallel_loop3A_1038 = arith.addi %add3A_139, %parallel_loop3A_1037 : i32
          %parallel_loop3A_1039 = arith.index_cast %parallel_loop3A_1038 : i32 to index
          %parallel_loop3A_1040 = arith.index_cast %parallel_loop3A_1006 : i32 to index
          %parallel_loop3A_1041 = tpu.vector_load %arg10[%parallel_loop3A_1039, %parallel_loop3A_1040] {strides = array<i32>} : memref<32x768xf32, #tpu.memory_space<vmem>>, vector<1x16xf32>,
          %parallel_loop3A_1042 = vector.shape_cast %parallel_loop3A_1041 : vector<1x16xf32> to vector<16xf32>
          %parallel_loop3A_1043 = arith.constant 5 : i32
          %parallel_loop3A_1044 = arith.addi %add3A_139, %parallel_loop3A_1043 : i32
          %parallel_loop3A_1045 = arith.index_cast %parallel_loop3A_1044 : i32 to index
          %parallel_loop3A_1046 = arith.index_cast %parallel_loop3A_1006 : i32 to index
          %parallel_loop3A_1047 = tpu.vector_load %arg10[%parallel_loop3A_1045, %parallel_loop3A_1046] {strides = array<i32>} : memref<32x768xf32, #tpu.memory_space<vmem>>, vector<1x16xf32>,
          %parallel_loop3A_1048 = vector.shape_cast %parallel_loop3A_1047 : vector<1x16xf32> to vector<16xf32>
          %parallel_loop3A_1049 = arith.constant 6 : i32
          %parallel_loop3A_1050 = arith.addi %add3A_139, %parallel_loop3A_1049 : i32
          %parallel_loop3A_1051 = arith.index_cast %parallel_loop3A_1050 : i32 to index
          %parallel_loop3A_1052 = arith.index_cast %parallel_loop3A_1006 : i32 to index
          %parallel_loop3A_1053 = tpu.vector_load %arg10[%parallel_loop3A_1051, %parallel_loop3A_1052] {strides = array<i32>} : memref<32x768xf32, #tpu.memory_space<vmem>>, vector<1x16xf32>,
          %parallel_loop3A_1054 = vector.shape_cast %parallel_loop3A_1053 : vector<1x16xf32> to vector<16xf32>
          %parallel_loop3A_1055 = arith.constant 7 : i32
          %parallel_loop3A_1056 = arith.addi %add3A_139, %parallel_loop3A_1055 : i32
          %parallel_loop3A_1057 = arith.index_cast %parallel_loop3A_1056 : i32 to index
          %parallel_loop3A_1058 = arith.index_cast %parallel_loop3A_1006 : i32 to index
          %parallel_loop3A_1059 = tpu.vector_load %arg10[%parallel_loop3A_1057, %parallel_loop3A_1058] {strides = array<i32>} : memref<32x768xf32, #tpu.memory_space<vmem>>, vector<1x16xf32>,
          %parallel_loop3A_1060 = vector.shape_cast %parallel_loop3A_1059 : vector<1x16xf32> to vector<16xf32>
          %parallel_loop3A_1061 = arith.subf %parallel_loop3A_1018, %mul3A_204 : vector<16xf32>
          %parallel_loop3A_1062 = arith.mulf %parallel_loop3A_1061, %mul3A_274 : vector<16xf32>
          %parallel_loop3A_1063 = arith.mulf %parallel_loop3A_1062, %parallel_loop3A_1009 : vector<16xf32>
          %parallel_loop3A_1064 = arith.addf %parallel_loop3A_1063, %parallel_loop3A_1012 : vector<16xf32>
          %parallel_loop3A_1065 = arith.subf %parallel_loop3A_1024, %mul3A_306 : vector<16xf32>
          %parallel_loop3A_1066 = arith.mulf %parallel_loop3A_1065, %mul3A_378 : vector<16xf32>
          %parallel_loop3A_1067 = arith.mulf %parallel_loop3A_1066, %parallel_loop3A_1009 : vector<16xf32>
          %parallel_loop3A_1068 = arith.addf %parallel_loop3A_1067, %parallel_loop3A_1012 : vector<16xf32>
          %parallel_loop3A_1069 = arith.subf %parallel_loop3A_1030, %mul3A_410 : vector<16xf32>
          %parallel_loop3A_1070 = arith.mulf %parallel_loop3A_1069, %mul3A_482 : vector<16xf32>
          %parallel_loop3A_1071 = arith.mulf %parallel_loop3A_1070, %parallel_loop3A_1009 : vector<16xf32>
          %parallel_loop3A_1072 = arith.addf %parallel_loop3A_1071, %parallel_loop3A_1012 : vector<16xf32>
          %parallel_loop3A_1073 = arith.subf %parallel_loop3A_1036, %mul3A_514 : vector<16xf32>
          %parallel_loop3A_1074 = arith.mulf %parallel_loop3A_1073, %mul3A_586 : vector<16xf32>
          %parallel_loop3A_1075 = arith.mulf %parallel_loop3A_1074, %parallel_loop3A_1009 : vector<16xf32>
          %parallel_loop3A_1076 = arith.addf %parallel_loop3A_1075, %parallel_loop3A_1012 : vector<16xf32>
          %parallel_loop3A_1077 = arith.subf %parallel_loop3A_1042, %mul3A_618 : vector<16xf32>
          %parallel_loop3A_1078 = arith.mulf %parallel_loop3A_1077, %mul3A_690 : vector<16xf32>
          %parallel_loop3A_1079 = arith.mulf %parallel_loop3A_1078, %parallel_loop3A_1009 : vector<16xf32>
          %parallel_loop3A_1080 = arith.addf %parallel_loop3A_1079, %parallel_loop3A_1012 : vector<16xf32>
          %parallel_loop3A_1081 = arith.subf %parallel_loop3A_1048, %mul3A_722 : vector<16xf32>
          %parallel_loop3A_1082 = arith.mulf %parallel_loop3A_1081, %mul3A_794 : vector<16xf32>
          %parallel_loop3A_1083 = arith.mulf %parallel_loop3A_1082, %parallel_loop3A_1009 : vector<16xf32>
          %parallel_loop3A_1084 = arith.addf %parallel_loop3A_1083, %parallel_loop3A_1012 : vector<16xf32>
          %parallel_loop3A_1085 = arith.subf %parallel_loop3A_1054, %mul3A_826 : vector<16xf32>
          %parallel_loop3A_1086 = arith.mulf %parallel_loop3A_1085, %mul3A_898 : vector<16xf32>
          %parallel_loop3A_1087 = arith.mulf %parallel_loop3A_1086, %parallel_loop3A_1009 : vector<16xf32>
          %parallel_loop3A_1088 = arith.addf %parallel_loop3A_1087, %parallel_loop3A_1012 : vector<16xf32>
          %parallel_loop3A_1089 = arith.subf %parallel_loop3A_1060, %mul3A_930 : vector<16xf32>
          %parallel_loop3A_1090 = arith.mulf %parallel_loop3A_1089, %mul3A_1002 : vector<16xf32>
          %parallel_loop3A_1091 = arith.mulf %parallel_loop3A_1090, %parallel_loop3A_1009 : vector<16xf32>
          %parallel_loop3A_1092 = arith.addf %parallel_loop3A_1091, %parallel_loop3A_1012 : vector<16xf32>
          %parallel_loop3A_1093 = arith.constant 0 : i32
          %parallel_loop3A_1094 = arith.addi %add3A_139, %parallel_loop3A_1093 : i32
          %parallel_loop3A_1095 = arith.index_cast %parallel_loop3A_1094 : i32 to index
          %parallel_loop3A_1096 = arith.index_cast %parallel_loop3A_1006 : i32 to index
          %parallel_loop3A_1097 = tpu.vector_load %arg12[%parallel_loop3A_1095, %parallel_loop3A_1096] {strides = array<i32>} : memref<32x768xf32, #tpu.memory_space<vmem>>, vector<1x16xf32>,
          %parallel_loop3A_1098 = vector.shape_cast %parallel_loop3A_1097 : vector<1x16xf32> to vector<16xf32>
          %parallel_loop3A_1099 = vector.shape_cast %parallel_loop3A_1064 : vector<16xf32> to vector<1x16xf32>
          tpu.vector_store %arg12[%parallel_loop3A_1095, %parallel_loop3A_1096], %parallel_loop3A_1099 {strides = array<i32>} : memref<32x768xf32, #tpu.memory_space<vmem>>, vector<1x16xf32>,
          %parallel_loop3A_1100 = arith.constant 1 : i32
          %parallel_loop3A_1101 = arith.addi %add3A_139, %parallel_loop3A_1100 : i32
          %parallel_loop3A_1102 = arith.index_cast %parallel_loop3A_1101 : i32 to index
          %parallel_loop3A_1103 = arith.index_cast %parallel_loop3A_1006 : i32 to index
          %parallel_loop3A_1104 = tpu.vector_load %arg12[%parallel_loop3A_1102, %parallel_loop3A_1103] {strides = array<i32>} : memref<32x768xf32, #tpu.memory_space<vmem>>, vector<1x16xf32>,
          %parallel_loop3A_1105 = vector.shape_cast %parallel_loop3A_1104 : vector<1x16xf32> to vector<16xf32>
          %parallel_loop3A_1106 = vector.shape_cast %parallel_loop3A_1068 : vector<16xf32> to vector<1x16xf32>
          tpu.vector_store %arg12[%parallel_loop3A_1102, %parallel_loop3A_1103], %parallel_loop3A_1106 {strides = array<i32>} : memref<32x768xf32, #tpu.memory_space<vmem>>, vector<1x16xf32>,
          %parallel_loop3A_1107 = arith.constant 2 : i32
          %parallel_loop3A_1108 = arith.addi %add3A_139, %parallel_loop3A_1107 : i32
          %parallel_loop3A_1109 = arith.index_cast %parallel_loop3A_1108 : i32 to index
          %parallel_loop3A_1110 = arith.index_cast %parallel_loop3A_1006 : i32 to index
          %parallel_loop3A_1111 = tpu.vector_load %arg12[%parallel_loop3A_1109, %parallel_loop3A_1110] {strides = array<i32>} : memref<32x768xf32, #tpu.memory_space<vmem>>, vector<1x16xf32>,
          %parallel_loop3A_1112 = vector.shape_cast %parallel_loop3A_1111 : vector<1x16xf32> to vector<16xf32>
          %parallel_loop3A_1113 = vector.shape_cast %parallel_loop3A_1072 : vector<16xf32> to vector<1x16xf32>
          tpu.vector_store %arg12[%parallel_loop3A_1109, %parallel_loop3A_1110], %parallel_loop3A_1113 {strides = array<i32>} : memref<32x768xf32, #tpu.memory_space<vmem>>, vector<1x16xf32>,
          %parallel_loop3A_1114 = arith.constant 3 : i32
          %parallel_loop3A_1115 = arith.addi %add3A_139, %parallel_loop3A_1114 : i32
          %parallel_loop3A_1116 = arith.index_cast %parallel_loop3A_1115 : i32 to index
          %parallel_loop3A_1117 = arith.index_cast %parallel_loop3A_1006 : i32 to index
          %parallel_loop3A_1118 = tpu.vector_load %arg12[%parallel_loop3A_1116, %parallel_loop3A_1117] {strides = array<i32>} : memref<32x768xf32, #tpu.memory_space<vmem>>, vector<1x16xf32>,
          %parallel_loop3A_1119 = vector.shape_cast %parallel_loop3A_1118 : vector<1x16xf32> to vector<16xf32>
          %parallel_loop3A_1120 = vector.shape_cast %parallel_loop3A_1076 : vector<16xf32> to vector<1x16xf32>
          tpu.vector_store %arg12[%parallel_loop3A_1116, %parallel_loop3A_1117], %parallel_loop3A_1120 {strides = array<i32>} : memref<32x768xf32, #tpu.memory_space<vmem>>, vector<1x16xf32>,
          %parallel_loop3A_1121 = arith.constant 4 : i32
          %parallel_loop3A_1122 = arith.addi %add3A_139, %parallel_loop3A_1121 : i32
          %parallel_loop3A_1123 = arith.index_cast %parallel_loop3A_1122 : i32 to index
          %parallel_loop3A_1124 = arith.index_cast %parallel_loop3A_1006 : i32 to index
          %parallel_loop3A_1125 = tpu.vector_load %arg12[%parallel_loop3A_1123, %parallel_loop3A_1124] {strides = array<i32>} : memref<32x768xf32, #tpu.memory_space<vmem>>, vector<1x16xf32>,
          %parallel_loop3A_1126 = vector.shape_cast %parallel_loop3A_1125 : vector<1x16xf32> to vector<16xf32>
          %parallel_loop3A_1127 = vector.shape_cast %parallel_loop3A_1080 : vector<16xf32> to vector<1x16xf32>
          tpu.vector_store %arg12[%parallel_loop3A_1123, %parallel_loop3A_1124], %parallel_loop3A_1127 {strides = array<i32>} : memref<32x768xf32, #tpu.memory_space<vmem>>, vector<1x16xf32>,
          %parallel_loop3A_1128 = arith.constant 5 : i32
          %parallel_loop3A_1129 = arith.addi %add3A_139, %parallel_loop3A_1128 : i32
          %parallel_loop3A_1130 = arith.index_cast %parallel_loop3A_1129 : i32 to index
          %parallel_loop3A_1131 = arith.index_cast %parallel_loop3A_1006 : i32 to index
          %parallel_loop3A_1132 = tpu.vector_load %arg12[%parallel_loop3A_1130, %parallel_loop3A_1131] {strides = array<i32>} : memref<32x768xf32, #tpu.memory_space<vmem>>, vector<1x16xf32>,
          %parallel_loop3A_1133 = vector.shape_cast %parallel_loop3A_1132 : vector<1x16xf32> to vector<16xf32>
          %parallel_loop3A_1134 = vector.shape_cast %parallel_loop3A_1084 : vector<16xf32> to vector<1x16xf32>
          tpu.vector_store %arg12[%parallel_loop3A_1130, %parallel_loop3A_1131], %parallel_loop3A_1134 {strides = array<i32>} : memref<32x768xf32, #tpu.memory_space<vmem>>, vector<1x16xf32>,
          %parallel_loop3A_1135 = arith.constant 6 : i32
          %parallel_loop3A_1136 = arith.addi %add3A_139, %parallel_loop3A_1135 : i32
          %parallel_loop3A_1137 = arith.index_cast %parallel_loop3A_1136 : i32 to index
          %parallel_loop3A_1138 = arith.index_cast %parallel_loop3A_1006 : i32 to index
          %parallel_loop3A_1139 = tpu.vector_load %arg12[%parallel_loop3A_1137, %parallel_loop3A_1138] {strides = array<i32>} : memref<32x768xf32, #tpu.memory_space<vmem>>, vector<1x16xf32>,
          %parallel_loop3A_1140 = vector.shape_cast %parallel_loop3A_1139 : vector<1x16xf32> to vector<16xf32>
          %parallel_loop3A_1141 = vector.shape_cast %parallel_loop3A_1088 : vector<16xf32> to vector<1x16xf32>
          tpu.vector_store %arg12[%parallel_loop3A_1137, %parallel_loop3A_1138], %parallel_loop3A_1141 {strides = array<i32>} : memref<32x768xf32, #tpu.memory_space<vmem>>, vector<1x16xf32>,
          %parallel_loop3A_1142 = arith.constant 7 : i32
          %parallel_loop3A_1143 = arith.addi %add3A_139, %parallel_loop3A_1142 : i32
          %parallel_loop3A_1144 = arith.index_cast %parallel_loop3A_1143 : i32 to index
          %parallel_loop3A_1145 = arith.index_cast %parallel_loop3A_1006 : i32 to index
          %parallel_loop3A_1146 = tpu.vector_load %arg12[%parallel_loop3A_1144, %parallel_loop3A_1145] {strides = array<i32>} : memref<32x768xf32, #tpu.memory_space<vmem>>, vector<1x16xf32>,
          %parallel_loop3A_1147 = vector.shape_cast %parallel_loop3A_1146 : vector<1x16xf32> to vector<16xf32>
          %parallel_loop3A_1148 = vector.shape_cast %parallel_loop3A_1092 : vector<16xf32> to vector<1x16xf32>
          tpu.vector_store %arg12[%parallel_loop3A_1144, %parallel_loop3A_1145], %parallel_loop3A_1148 {strides = array<i32>} : memref<32x768xf32, #tpu.memory_space<vmem>>, vector<1x16xf32>,
        } {sc.loop_unroll_factor = 4 : i64, sc.parallel_access}
      }
      %scan3A_125 = arith.constant 2 : i32
      %eq3A_126 = arith.constant 0 : i32
      %eq3A_127 = arith.cmpi eq, %rem3A_101, %eq3A_126 : i32
      %convert_element_type3A_128 = arith.extui %eq3A_127 : i1 to i32
      %cond3A_129 = arith.constant 0 : i32
      %cond3A_130 = arith.cmpi ne, %convert_element_type3A_128, %cond3A_129 : i32
      scf.if %cond3A_130 {
        %dma_start3A_136 = arith.constant 0 : i32
        %dma_start3A_137 = arith.constant 0 : i32
        %dma_start3A_138 = tpu.memref_slice %arg12[%dma_start3A_136, %dma_start3A_137] : memref<32x768xf32, #tpu.memory_space<vmem>> -> memref<16x768xf32, #tpu.memory_space<vmem>>
        %dma_start3A_139 = arith.constant 0 : i32
        %dma_start3A_140 = tpu.memref_slice %arg8[%add3A_112, %dma_start3A_139] : memref<8192x768xf32, #tpu.memory_space<hbm>> -> memref<16x768xf32, #tpu.memory_space<hbm>>
        %dma_start3A_141 = arith.constant 0 : i32
        %dma_start3A_142 = tpu.memref_slice %arg8[%add3A_112, %dma_start3A_141] : memref<8192x768xf32, #tpu.memory_space<hbm>> -> memref<16x768xf32, #tpu.memory_space<hbm>>
        %dma_start3A_143 = arith.constant 0 : i32
        %dma_start3A_144 = arith.constant 0 : i32
        %dma_start3A_145 = tpu.memref_slice %arg12[%dma_start3A_143, %dma_start3A_144] : memref<32x768xf32, #tpu.memory_space<vmem>> -> memref<16x768xf32, #tpu.memory_space<vmem>>
        tpu.enqueue_dma source(%dma_start3A_145 : memref<16x768xf32, #tpu.memory_space<vmem>>) target(%dma_start3A_142 : memref<16x768xf32, #tpu.memory_space<hbm>>) target_semaphore(%arg21 : memref<!tpu.dma_semaphore, #tpu.memory_space<semaphore_mem>>)
        %add3A_146 = arith.constant 2 : i32
        %add3A_147 = arith.addi %scan3A_99, %add3A_146 : i32
        %lt3A = arith.constant 16 : i32
        %lt3A_148 = arith.cmpi slt, %add3A_147, %lt3A : i32
        %convert_element_type3A_149 = arith.extui %lt3A_148 : i1 to i32
        %cond3A_150 = arith.constant 0 : i32
        %cond3A_151 = arith.cmpi ne, %convert_element_type3A_149, %cond3A_150 : i32
        scf.if %cond3A_151 {
          %add3A_152 = arith.constant 2 : i32
          %add3A_153 = arith.addi %scan3A_99, %add3A_152 : i32
          %rem3A_154 = arith.constant 2 : i32
          %rem3A_155 = arith.remsi %add3A_153, %rem3A_154 : i32
          %mul3A_156 = arith.constant 16 : i32
          %mul3A_157 = arith.muli %rem3A_155, %mul3A_156 : i32
          %mul3A_158 = arith.constant 16 : i32
          %mul3A_159 = arith.muli %add3A_153, %mul3A_158 : i32
          %dma_start3A_160 = arith.constant 0 : i32
          %dma_start3A_161 = tpu.memref_slice %arg10[%mul3A_157, %dma_start3A_160] : memref<32x768xf32, #tpu.memory_space<vmem>> -> memref<16x768xf32, #tpu.memory_space<vmem>>
          %dma_start3A_162 = tpu.memref_slice %arg9[%mul3A_159] : memref<256xi32, #tpu.memory_space<vmem>> -> memref<16xi32, #tpu.memory_space<vmem>>
          %dma_start3A_163 = arith.constant 0 : i32
          %dma_start3A_164 = arith.constant 0 : i32
          %dma_start3A_165 = tpu.memref_slice %arg3[%dma_start3A_163, %dma_start3A_164] : memref<100000x768xf32, #tpu.memory_space<hbm>> -> memref<100000x768xf32, #tpu.memory_space<hbm>>
          tpu.enqueue_indirect_dma source(%dma_start3A_165 : memref<100000x768xf32, #tpu.memory_space<hbm>>) target(%dma_start3A_161 : memref<16x768xf32, #tpu.memory_space<vmem>>) offsets(%dma_start3A_162 : memref<16xi32, #tpu.memory_space<vmem>>) semaphore(%arg16 : memref<!tpu.dma_semaphore, #tpu.memory_space<semaphore_mem>>)
        } else {
        }
      } else {
      }
      %eq3A_131 = arith.constant 1 : i32
      %eq3A_132 = arith.cmpi eq, %rem3A_101, %eq3A_131 : i32
      %convert_element_type3A_133 = arith.extui %eq3A_132 : i1 to i32
      %cond3A_134 = arith.constant 0 : i32
      %cond3A_135 = arith.cmpi ne, %convert_element_type3A_133, %cond3A_134 : i32
      scf.if %cond3A_135 {
        %dma_start3A_136 = arith.constant 16 : i32
        %dma_start3A_137 = arith.constant 0 : i32
        %dma_start3A_138 = tpu.memref_slice %arg12[%dma_start3A_136, %dma_start3A_137] : memref<32x768xf32, #tpu.memory_space<vmem>> -> memref<16x768xf32, #tpu.memory_space<vmem>>
        %dma_start3A_139 = arith.constant 0 : i32
        %dma_start3A_140 = tpu.memref_slice %arg8[%add3A_112, %dma_start3A_139] : memref<8192x768xf32, #tpu.memory_space<hbm>> -> memref<16x768xf32, #tpu.memory_space<hbm>>
        %dma_start3A_141 = arith.constant 0 : i32
        %dma_start3A_142 = tpu.memref_slice %arg8[%add3A_112, %dma_start3A_141] : memref<8192x768xf32, #tpu.memory_space<hbm>> -> memref<16x768xf32, #tpu.memory_space<hbm>>
        %dma_start3A_143 = arith.constant 16 : i32
        %dma_start3A_144 = arith.constant 0 : i32
        %dma_start3A_145 = tpu.memref_slice %arg12[%dma_start3A_143, %dma_start3A_144] : memref<32x768xf32, #tpu.memory_space<vmem>> -> memref<16x768xf32, #tpu.memory_space<vmem>>
        tpu.enqueue_dma source(%dma_start3A_145 : memref<16x768xf32, #tpu.memory_space<vmem>>) target(%dma_start3A_142 : memref<16x768xf32, #tpu.memory_space<hbm>>) target_semaphore(%arg22 : memref<!tpu.dma_semaphore, #tpu.memory_space<semaphore_mem>>)
        %add3A_146 = arith.constant 2 : i32
        %add3A_147 = arith.addi %scan3A_99, %add3A_146 : i32
        %lt3A = arith.constant 16 : i32
        %lt3A_148 = arith.cmpi slt, %add3A_147, %lt3A : i32
        %convert_element_type3A_149 = arith.extui %lt3A_148 : i1 to i32
        %cond3A_150 = arith.constant 0 : i32
        %cond3A_151 = arith.cmpi ne, %convert_element_type3A_149, %cond3A_150 : i32
        scf.if %cond3A_151 {
          %add3A_152 = arith.constant 2 : i32
          %add3A_153 = arith.addi %scan3A_99, %add3A_152 : i32
          %rem3A_154 = arith.constant 2 : i32
          %rem3A_155 = arith.remsi %add3A_153, %rem3A_154 : i32
          %mul3A_156 = arith.constant 16 : i32
          %mul3A_157 = arith.muli %rem3A_155, %mul3A_156 : i32
          %mul3A_158 = arith.constant 16 : i32
          %mul3A_159 = arith.muli %add3A_153, %mul3A_158 : i32
          %dma_start3A_160 = arith.constant 0 : i32
          %dma_start3A_161 = tpu.memref_slice %arg10[%mul3A_157, %dma_start3A_160] : memref<32x768xf32, #tpu.memory_space<vmem>> -> memref<16x768xf32, #tpu.memory_space<vmem>>
          %dma_start3A_162 = tpu.memref_slice %arg9[%mul3A_159] : memref<256xi32, #tpu.memory_space<vmem>> -> memref<16xi32, #tpu.memory_space<vmem>>
          %dma_start3A_163 = arith.constant 0 : i32
          %dma_start3A_164 = arith.constant 0 : i32
          %dma_start3A_165 = tpu.memref_slice %arg3[%dma_start3A_163, %dma_start3A_164] : memref<100000x768xf32, #tpu.memory_space<hbm>> -> memref<100000x768xf32, #tpu.memory_space<hbm>>
          tpu.enqueue_indirect_dma source(%dma_start3A_165 : memref<100000x768xf32, #tpu.memory_space<hbm>>) target(%dma_start3A_161 : memref<16x768xf32, #tpu.memory_space<vmem>>) offsets(%dma_start3A_162 : memref<16xi32, #tpu.memory_space<vmem>>) semaphore(%arg17 : memref<!tpu.dma_semaphore, #tpu.memory_space<semaphore_mem>>)
        } else {
        }
      } else {
      }
    }
    %scan3A_74 = arith.constant 16 : i32
    %dma_wait3A_75 = arith.constant 0 : i32
    %dma_wait3A_76 = arith.constant 0 : i32
    %dma_wait3A_77 = tpu.memref_slice %arg12[%dma_wait3A_75, %dma_wait3A_76] : memref<32x768xf32, #tpu.memory_space<vmem>> -> memref<16x768xf32, #tpu.memory_space<vmem>>
    %dma_wait3A_78 = arith.constant 0 : i32
    %dma_wait3A_79 = arith.constant 0 : i32
    %dma_wait3A_80 = tpu.memref_slice %arg4[%dma_wait3A_78, %dma_wait3A_79] : memref<2048x768xf32, #tpu.memory_space<hbm>> -> memref<16x768xf32, #tpu.memory_space<hbm>>
    %dma_wait3A_81 = arith.constant 0 : i32
    %dma_wait3A_82 = arith.constant 0 : i32
    %dma_wait3A_83 = tpu.memref_slice %arg12[%dma_wait3A_81, %dma_wait3A_82] : memref<32x768xf32, #tpu.memory_space<vmem>> -> memref<16x768xf32, #tpu.memory_space<vmem>>
    %dma_wait3A_84 = arith.constant 0 : i32
    %dma_wait3A_85 = arith.constant 0 : i32
    %dma_wait3A_86 = tpu.memref_slice %arg4[%dma_wait3A_84, %dma_wait3A_85] : memref<2048x768xf32, #tpu.memory_space<hbm>> -> memref<16x768xf32, #tpu.memory_space<hbm>>
    tpu.wait_dma2 semaphore(%arg21 : memref<!tpu.dma_semaphore, #tpu.memory_space<semaphore_mem>>) src(%dma_wait3A_86 : memref<16x768xf32, #tpu.memory_space<hbm>>) dst(%dma_wait3A_83 : memref<16x768xf32, #tpu.memory_space<vmem>>)
    %dma_wait3A_87 = arith.constant 16 : i32
    %dma_wait3A_88 = arith.constant 0 : i32
    %dma_wait3A_89 = tpu.memref_slice %arg12[%dma_wait3A_87, %dma_wait3A_88] : memref<32x768xf32, #tpu.memory_space<vmem>> -> memref<16x768xf32, #tpu.memory_space<vmem>>
    %dma_wait3A_90 = arith.constant 0 : i32
    %dma_wait3A_91 = arith.constant 0 : i32
    %dma_wait3A_92 = tpu.memref_slice %arg4[%dma_wait3A_90, %dma_wait3A_91] : memref<2048x768xf32, #tpu.memory_space<hbm>> -> memref<16x768xf32, #tpu.memory_space<hbm>>
    %dma_wait3A_93 = arith.constant 16 : i32
    %dma_wait3A_94 = arith.constant 0 : i32
    %dma_wait3A_95 = tpu.memref_slice %arg12[%dma_wait3A_93, %dma_wait3A_94] : memref<32x768xf32, #tpu.memory_space<vmem>> -> memref<16x768xf32, #tpu.memory_space<vmem>>
    %dma_wait3A_96 = arith.constant 0 : i32
    %dma_wait3A_97 = arith.constant 0 : i32
    %dma_wait3A_98 = tpu.memref_slice %arg4[%dma_wait3A_96, %dma_wait3A_97] : memref<2048x768xf32, #tpu.memory_space<hbm>> -> memref<16x768xf32, #tpu.memory_space<hbm>>
    tpu.wait_dma2 semaphore(%arg22 : memref<!tpu.dma_semaphore, #tpu.memory_space<semaphore_mem>>) src(%dma_wait3A_98 : memref<16x768xf32, #tpu.memory_space<hbm>>) dst(%dma_wait3A_95 : memref<16x768xf32, #tpu.memory_space<vmem>>)
    return
  }
}

</mosaic_0001>

<sc_bundles>
// kernel: kernel.3.cloned.1.call-start
scs
__scs_entry_jumppad:
0x0: {  	(pc) =	sbr.rel $0x88, $3  }
0x1: {  	(tag) =	ssettag $0x0;
	lr =	simm.s32 $0x1  }
0x2: {  	[smem:$0x3F9B] =	sst lr;
	_ =	strace $0xD0000000  }
0x3: {  	_ = 	snop  }
0x4: {  	_ = 	snop  }
0x5: {  	_ = 	snop  }
0x6: {  	_ = 	snop  }
0x7: {  	_ = 	snop  }
__scs_overlays_trampoline_lowered:
0x8: {  	[smem:$0x3FAA] =	sst s0  }
0x9: {  	[smem:$0x3FAB] =	sst s1  }
0xa: {  	[smem:$0x3FAC] =	sst s2  }
0xb: {  	[smem:$0x3FAD] =	sst s3  }
0xc: {  	[smem:$0x3FAE] =	sst s4  }
0xd: {  	[smem:$0x3FAF] =	sst s5  }
0xe: {  	[smem:$0x3FB0] =	sst s6  }
0xf: {  	[smem:$0x3FB1] =	sst s7  }
0x10: {  	[smem:$0x3FB2] =	sst s8  }
0x11: {  	[smem:$0x3FB3] =	sst s9;
	s0 =	simm.s32 @!p0 $0x0  }
0x12: {  	s1 =	sld [smem:$0x3F99];
	s0 =	simm.s32 @p0 $0x1  }
0x13: {  	[smem:$0x3FB4] =	sst s0;
	s0 =	simm.s32 @!p1 $0x0  }
0x14: {  	s2 =	sld [smem:$0x3F98];
	s0 =	simm.s32 @p1 $0x1  }
0x15: {  	[smem:$0x3FB5] =	sst s0;
	s0 =	simm.s32 @!p2 $0x0  }
0x16: {  	s3 =	sld [smem:$0x3FDB];
	s0 =	simm.s32 @p2 $0x1  }
0x17: {  	s4 =	simm.s32 $0x1BF5;
	[smem:$0x3FB7] =	sst s0  }
0x18: {  	s0 =	sld [smem:$0x3F9A];
	_ =	swait.ge [sflag:s4], $0x0  }
0x19: {  	s7 =	sld [smem:$0x3F9B]  }
0x1a: {  	s8 =	sadd.s32 $0xFFFFE003, lr  }
0x1b: {  	s9 =	sadd.s32 $0xFFFFFEF7, lr;
	s5 =	simm.s32 $0xFFFFFFFF;
	p2 =	slt.u32 s8, $0xFFFFF086  }
0x1c: {  	p1 =	slt.u32 s9, $0xF7A;
	s5 =	simm.s32 @!p2 $0x0  }
0x1d: {  	s5 =	simm.s32 @p1 $0x1;
	p0 =	seq.s32 s7, s2  }
0x1e: {  	s7 =	smul.u32 @!p0 $0xF7A, s2;
	p2 =	seq.s32 @!p0 s5, $0x0  }
0x1f: {  	s9 =	smul.u32 $0xF7A, s1;
	s8 =	simm.s32 @!p0 $0x1BF5;
	p2 =	por !p2, p0  }
0x20: {  	[sflag:s8] =	ssyncset.s32 @!p0 $0xFFFFF086;
	s6 =	sadd.s32 @!p0 s3, s7;
	s7 =	simm.s32 @!p0 $0x108  }
0x21: {  	s3 =	sadd.s32 s3, s9;
	s6 =	sadd.s32 @!p0 $0x88, s6;
	s7 =	simm.s32 @p2 $0x1082  }
0x22: {  	[simem:s7], [sflag:s8] =	dma.local @!p0 [hbm:s6], $0xF7A  }
0x23: {  	s9 =	sor.u32 $0xD0000000, s2;
	s6 =	simm.s32 $0x108;
	_ =	swait.ge @!p0 [sflag:s8], $0x0  }
0x24: {  	s3 =	sadd.s32 $0x88, s3;
	s6 =	simm.s32 @!p1 $0x1082;
	[sflag:s4] =	ssyncset.s32 $0xFFFFF086  }
0x25: {  	[simem:s6], [sflag:s4] =	dma.local [hbm:s3], $0xF7A  }
0x26: {  	[smem:$0x3F9B] =	sst s1;
	(tag) =	ssettag s2;
	_ =	strace s9  }
0x27: {  	s1 =	sld [smem:$0x3FAB]  }
0x28: {  	s2 =	sld [smem:$0x3FAC]  }
0x29: {  	s4 =	sld [smem:$0x3FAE]  }
0x2a: {  	p0 =	seq.s32 s5, $0x0;
	s5 =	sld [smem:$0x3FAF]  }
0x2b: {  	s6 =	sld [smem:$0x3FB0]  }
0x2c: {  	s7 =	sld [smem:$0x3FB1]  }
0x2d: {  	s3 =	simm.s32 $0x108;
	s8 =	sld [smem:$0x3FB2]  }
0x2e: {  	s3 =	simm.s32 @!p0 $0x1082;
	s9 =	sld [smem:$0x3FB3]  }
0x2f: {  	lr =	sadd.s32 s0, s3;
	s0 =	sld [smem:$0x3FAA]  }
0x30: {  	s3 =	sld [smem:$0x3FAD]  }
0x31: {  	[smem:$0x3FB6] =	sst s10  }
0x32: {  	s10 =	sld [smem:$0x3FB4];
	_ =	sdelay $0x3  }
0x33: {  	p0 =	seq.s32 s10, $0x1;
	s10 =	sld [smem:$0x3FB6];
	_ =	sdelay $0x3  }
0x34: {  	[smem:$0x3FB6] =	sst s10  }
0x35: {  	s10 =	sld [smem:$0x3FB5];
	_ =	sdelay $0x3  }
0x36: {  	p1 =	seq.s32 s10, $0x1;
	s10 =	sld [smem:$0x3FB6];
	_ =	sdelay $0x3  }
0x37: {  	[smem:$0x3FB6] =	sst s10  }
0x38: {  	s10 =	sld [smem:$0x3FB7]  }
0x39: {  	_ = 	snop;
	(pc) =	sbr.ind lr, $3  }
0x3a: {  	_ = 	snop  }
0x3b: {  	_ = 	snop  }
0x3c: {  	p2 =	seq.s32 s10, $0x1;
	s10 =	sld [smem:$0x3FB6]  }
0x3d: {  	_ =	shalt  }
0x3e: {  	_ =	shalt  }
0x3f: {  	_ =	shalt  }
0x40: {  	_ =	shalt  }
0x41: {  	_ =	shalt  }
0x42: {  	_ =	shalt  }
0x43: {  	_ =	shalt  }
0x44: {  	_ =	shalt  }
0x45: {  	_ =	shalt  }
0x46: {  	_ =	shalt  }
0x47: {  	_ =	shalt  }
0x48: {  	_ =	shalt  }
0x49: {  	_ =	shalt  }
0x4a: {  	_ =	shalt  }
0x4b: {  	_ =	shalt  }
0x4c: {  	_ =	shalt  }
0x4d: {  	_ =	shalt  }
0x4e: {  	_ =	shalt  }
0x4f: {  	_ =	shalt  }
0x50: {  	_ =	shalt  }
0x51: {  	_ =	shalt  }
0x52: {  	_ =	shalt  }
0x53: {  	_ =	shalt  }
0x54: {  	_ =	shalt  }
0x55: {  	_ =	shalt  }
0x56: {  	_ =	shalt  }
0x57: {  	_ =	shalt  }
0x58: {  	_ =	shalt  }
0x59: {  	_ =	shalt  }
0x5a: {  	_ =	shalt  }
0x5b: {  	_ =	shalt  }
0x5c: {  	_ =	shalt  }
0x5d: {  	_ =	shalt  }
0x5e: {  	_ =	shalt  }
0x5f: {  	_ =	shalt  }
0x60: {  	_ =	shalt  }
0x61: {  	_ =	shalt  }
0x62: {  	_ =	shalt  }
0x63: {  	_ =	shalt  }
0x64: {  	_ =	shalt  }
0x65: {  	_ =	shalt  }
0x66: {  	_ =	shalt  }
0x67: {  	_ =	shalt  }
0x68: {  	_ =	shalt  }
0x69: {  	_ =	shalt  }
0x6a: {  	_ =	shalt  }
0x6b: {  	_ =	shalt  }
0x6c: {  	_ =	shalt  }
0x6d: {  	_ =	shalt  }
0x6e: {  	_ =	shalt  }
0x6f: {  	_ =	shalt  }
0x70: {  	_ =	shalt  }
0x71: {  	_ =	shalt  }
0x72: {  	_ =	shalt  }
0x73: {  	_ =	shalt  }
0x74: {  	_ =	shalt  }
0x75: {  	_ =	shalt  }
0x76: {  	_ =	shalt  }
0x77: {  	_ =	shalt  }
0x78: {  	_ =	shalt  }
0x79: {  	_ =	shalt  }
0x7a: {  	_ =	shalt  }
0x7b: {  	_ =	shalt  }
0x7c: {  	_ =	shalt  }
0x7d: {  	_ =	shalt  }
0x7e: {  	_ =	shalt  }
0x7f: {  	_ =	shalt  }
0x80: {  	_ =	shalt  }
0x81: {  	_ =	shalt  }
0x82: {  	_ =	shalt  }
0x83: {  	_ =	shalt  }
0x84: {  	_ =	shalt  }
0x85: {  	_ =	shalt  }
0x86: {  	_ =	shalt  }
0x87: {  	_ =	shalt  }
.Lfunc_end0:
.L_simem_size_0:
called_computation_lowered:
.L_overlay_start_0:
0x88: {  	s2 =	sld [smem:$0x3FD9]  }
0x89: {  	s3 =	sld [smem:$0x3FFE];
	_ =	sdelay $0x1  }
0x8a: {  	s1 =	srdreg.scid  }
0x8b: {  	s0 =	sand.u32 $0x1, s1  }
0x8c: {  	s17 =	sshll.u32 s0, $0xA;
	s2 =	sadd.s32 s3, s2  }
0x8d: {  	s2 =	sadd.s32 s2, s17  }
0x8e: {  	[smem:$0x3FC2] =	sst s2  }
0x8f: {  	_ = 	snop  }
0x90: {  	s2 =	sld [smem:$0x3FC8]  }
0x91: {  	s18 =	sld [smem:$0x3FC7]  }
0x92: {  	s4 =	sld [smem:$0x3FC5]  }
0x93: {  	s5 =	sld [smem:$0x3FC4]  }
0x94: {  	s6 =	sld [smem:$0x3FD0];
	(tm) =	ssettm $0x1  }
0x95: {  	s7 =	sld [smem:$0x3FFB];
	_ =	sdelay $0x3  }
0x96: {  	_ =	strace s7  }
0x97: {  	s7 =	sld [smem:$0x3FFC];
	_ =	sdelay $0x3  }
0x98: {  	_ =	strace s7  }
0x99: {  	s7 =	sld [smem:$0x3FFD];
	_ =	sdelay $0x3  }
0x9a: {  	_ =	strace s7  }
0x9b: {  	_ =	strace $0x8FFFFFFF  }
0x9c: {  	s19 =	sld [smem:$0x3FDB];
	_ =	sdelay $0x1  }
0x9d: {  	s8 =	simm.s32 $_scs_section_size  }
0x9e: {  	s9 =	simm.s32 $_size__tile_overlayer_lowered;
	s10 =	simm.s32 $_tile_overlayer_lowered  }
0x9f: {  	s22 =	simm.s32 $0x1BFF;
	s21 =	sshll.u32 s10, $0x1;
	s7 =	sadd.s32 s8, s19  }
0xa0: {  	s11 =	simm.s32 $0x0;
	s20 =	sshll.u32 s9, $0x1;
	s9 =	sadd.s32 s21, s7  }
0xa1: {  	[timem:s11], [sflag:s22] =	dma.local [hbm:s9], s20  }
0xa2: {  	_ =	swait.ge [sflag:s22], s20  }
0xa3: {  	s8 =	ssub.s32 $0x0, s20;
	[sflag:s22] =	ssyncset.done $0x0  }
0xa4: {  	[sflag:s22] =	ssyncadd.s32 s8;
	_ =	sdelay $0x1  }
0xa5: {  	s23 =	simm.s32 $0x1B8B  }
0xa6: {  	_ =	swait.ge [sflag:s23], $0x1  }
0xa7: {  	[sflag:s23] =	ssyncset.done $0x0  }
0xa8: {  	s25 =	simm.s32 $0x1B8E;
	s24 =	sld [smem:$0x3FFE];
	[sflag:s23] =	ssyncadd.s32 $0xFFFFFFFF  }
0xa9: {  	s26 =	simm.s32 $execute0_lowered;
	[smem:$0x3FD2] =	sst s25  }
0xaa: {  	s9 =	sshll.u32 s26, $0x1;
	_ =	strace $0x80000046;
	[dreg:$0x1] =	wrdreg $0xFFFFFFFF  }
0xab: {  	s28 =	simm.s32 $_size_execute0_lowered;
	s7 =	sadd.s32 s7, s9;
	[dreg:$0x0] =	wrdreg $0x0  }
0xac: {  	s9 =	sshll.u32 s28, $0x1;
	[dreg:$0x2] =	wrdreg s7  }
0xad: {  	[dreg:$0x3] =	wrdreg s9  }
0xae: {  	[dreg:$0x4] =	wrdreg $0xC0  }
0xaf: {  	_ =	task [dreg:s11], $0x5FFFF  }
0xb0: {  	[dreg:$0x1] =	wrdreg $0xFFFFFFFF  }
0xb1: {  	[dreg:$0x0] =	wrdreg $0x60  }
0xb2: {  	[dreg:$0x2] =	wrdreg s24  }
0xb3: {  	[dreg:$0x3] =	wrdreg s2  }
0xb4: {  	[dreg:$0x4] =	wrdreg s18  }
0xb5: {  	[dreg:$0x5] =	wrdreg s4  }
0xb6: {  	[dreg:$0x6] =	wrdreg s5  }
0xb7: {  	[dreg:$0x7] =	wrdreg s6  }
0xb8: {  	[dreg:$0x8] =	wrdreg $0x9  }
0xb9: {  	_ =	task.clear_ibuf [dreg:s11], $0x9FFFF;
	_ =	strace $0x90000046  }
0xba: {  	s29 =	simm.s32 $0x9;
	_ =	strace $0x80000048  }
0xbb: {  	_ =	swait.ge [sflag:s29], $0x1  }
0xbc: {  	[sflag:s29] =	ssyncadd.s32 $0xFFFFFFFF  }
0xbd: {  	_ =	strace $0x90000048  }
0xbe: {  	_ =	sfence  }
0xbf: {  	s30 =	sld [smem:$0x0];
	_ =	sdelay $0x2  }
0xc0: {  	s31 =	sshll.u32 s1, $0xD;
	s1 =	sshrl.u32 s1, $0x2  }
0xc1: {  	s3 =	sand.u32 $0x4000, s31;
	s1 =	sadd.s32 s1, s30  }
0xc2: {  	s0 =	sor.u32 s3, s0;
	s1 =	sshll.u32 s1, $0x11  }
0xc3: {  	s0 =	sor.u32 s1, s0  }
0xc4: {  	s0 =	sadd.s32 $0x8F2B, s0  }
0xc5: {  	[sflag:s0] =	ssyncadd.remote.s32 $0x1  }
0xc6: {  	_ =	sfence.sel $0xFFFF  }
0xc7: {  	[dreg:$0x0] =	wrdreg $0xFFFFFFFF;
	(pc) =	sbr.abs _section_cstart, $3  }
0xc8: {  	[dreg:$0x1] =	wrdreg $0xFFFFFFFF  }
0xc9: {  	_ =	task.clear_ibuf [dreg:s11], $0x2FFFF;
	_ =	strace $0x9FFFFFFF  }
0xca: {  	(tm) =	ssettm $0x7FFFFFFF  }
0xcb: {  	_ =	shalt  }
tec
execute0_lowered:
.L_overlay_start_1:
0x0: {  	(tag) =	ssettag $0x1  }
0x1: {  	s5 =	rddreg [dreg:$0x0];
	v0 =	vimm.s32 $0xEFCDAB89;
	v1 =	vimm.s32 $0x67452301  }
0x2: {  	s2 =	rddreg [dreg:$0x1];
	s1 =	srdreg.scid;
	v2 =	vlaneseq.u32;
	v0 =	vunpack.c.l.s4.s8 v0;
	v1 =	vunpack.c.l.s4.s8 v1  }
0x3: {  	s0 =	rddreg [dreg:$0x2];
	s3 =	stileid.u32;
	v3 =	vimm.s32 $0xDCFE98BA;
	v4 =	vimm.s32 $0x54761032;
	v5 =	vimm.s32 $0xBA98FEDC;
	s1 =	sand.u32 $0x1, s1  }
0x4: {  	s3 =	sshll.u32 s3, $0x7;
	v3 =	vunpack.c.l.s4.s8 v3;
	s4 =	sshll.u32 s1, $0x6;
	s1 =	ssub.s32 $0x2, s1;
	v0 =	vunpack.c.0.s8.s32 v0;
	v1 =	vunpack.c.0.s8.s32 v1  }
0x5: {  	s23 =	simm.s32 $0x0;
	v6 =	vimm.s32 $0x32107654;
	v4 =	vunpack.c.l.s4.s8 v4;
	v5 =	vunpack.c.l.s4.s8 v5;
	s7 =	sor.u32 s4, s3;
	s25 =	sshrl.u32 s1, $0x1  }
0x6: {  	[smem:$0x7FF] =	sst s23;
	s3 =	sshrl.u32 s7, $0x3;
	s1 =	ssub.s32 s1, s25;
	v7 =	vcombine.low v1, v0;
	v0 =	vunpack.c.0.s8.s32 v3;
	v1 =	vunpack.c.l.s4.s8 v6  }
0x7: {  	s24 =	smul.u32 $0x300, s3;
	s3 =	sadd.s32 s3, s5;
	s31 =	smax.u32 s1, $0x1;
	v3 =	vunpack.c.0.s8.s32 v4;
	v4 =	vunpack.c.0.s8.s32 v5;
	v5 =	vimm.s32 $0xFEDCBA98  }
0x8: {  	_ =	strace $0x80000047;
	v6 =	vimm.s32 $0x76543210;
	s26 =	sadd.s32 $0x200, s3;
	[dreg:$0xc] =	wrdreg s31;
	v5 =	vunpack.c.l.s4.s8 v5;
	v1 =	vunpack.c.0.s8.s32 v1  }
0x9: {  	vm0 =	vmmov $0xffff;
	s28 =	sadd.s32 $0x300, s3;
	[dreg:$0x8] =	wrdreg s26;
	v8 =	vcombine.low v3, v0;
	v3 =	vunpack.c.l.s4.s8 v6  }
0xa: {  	s29 =	sadd.s32 $0x400, s3;
	[dreg:$0x9] =	wrdreg s28;
	v0 =	vand.u32 $0x7, v2;
	v6 =	vcombine.low v1, v4;
	v4 =	vunpack.c.0.s8.s32 v5  }
0xb: {  	s14 =	sadd.s32 $0x100, s2;
	s30 =	sadd.s32 $0x500, s3;
	[dreg:$0xa] =	wrdreg s29;
	v1 =	vshrl.u32 v2, $0x3;
	v9 =	vunpack.c.0.s8.s32 v3;
	v2 =	vor.u32 $0x8, v2  }
0xc: {  	s15 =	sadd.s32 $0x200, s2;
	s0 =	sadd.s32 s0, s24;
	[dreg:$0xb] =	wrdreg s30;
	v3 =	vand.u32 $0xF, v7;
	v1 =	vmul.u32 $0x8, v1;
	v7 =	vand.u32 $0xF, v4  }
0xd: {  	s3 =	simm.s32 $0x0;
	s24 =	simm.s32 $0x2;
	[dreg:$0x7] =	wrdreg s0;
	v4 =	vand.u32 $0xF, v8;
	v5 =	vand.u32 $0xF, v6;
	v6 =	vcombine.low v7, v9  }
.LBB2_1:
0xe: {  	[dreg:$0xd] =	wrdreg s3  }
0xf: {  	s1 =	simm.s32 $0x0;
	s0 =	rddreg [dreg:$0x7];
	s23 =	simm.s32 $0x6100  }
0x10: {  	[tilespmem:s23], [sflag:$0x3] =	stream.linear.gather [hbm4b:s0+s1], $0xC000, $0x38;
	[tilespmem:$0x18A00] =	vst v63  }
0x11: {  	s25 =	rddreg [dreg:$0x8]  }
0x12: {  	[tilespmem:s1], [sflag:$0x4] =	stream.linear.gather [hbm4b:s25+s1], $0x40, $0x38;
	[tilespmem:$0x18A00] =	vst v63  }
0x13: {  	s26 =	rddreg [dreg:$0x9];
	s29 =	simm.s32 $0x40  }
0x14: {  	[tilespmem:s29], [sflag:$0x4] =	stream.linear.gather [hbm4b:s26+s1], $0x40, $0x38;
	[tilespmem:$0x18A00] =	vst v63  }
0x15: {  	s30 =	rddreg [dreg:$0xa];
	s31 =	simm.s32 $0x80  }
0x16: {  	[tilespmem:s31], [sflag:$0x4] =	stream.linear.gather [hbm4b:s30+s1], $0x40, $0x38;
	[tilespmem:$0x18A00] =	vst v63  }
0x17: {  	s4 =	rddreg [dreg:$0xb];
	s5 =	simm.s32 $0xC0  }
0x18: {  	[tilespmem:s5], [sflag:$0x4] =	stream.linear.gather [hbm4b:s4+s1], $0x40, $0x38;
	[tilespmem:$0x18A00] =	vst v63  }
0x19: {  	s6 =	rddreg [dreg:$0x0];
	s8 =	simm.s32 $0x18100;
	s9 =	simm.s32 $0x7  }
0x1a: {  	[tilespmem:s8], [sflag:$0x7] =	stream.linear.gather [hbm4b:s6+s1], $0x300, $0x38;
	[tilespmem:$0x18A00] =	vst v63  }
0x1b: {  	_ =	swait.ge [sflag:s9], $0x300  }
0x1c: {  	[sflag:s9] =	ssyncset.done $0x0  }
0x1d: {  	[sflag:s9] =	ssyncadd.s32 $0xFFFFFD00  }
0x1e: {  	s4 =	simm.s32 $0x18400;
	s10 =	rddreg [dreg:$0x3]  }
0x1f: {  	[tilespmem:s4], [sflag:$0x7] =	stream.linear.gather [hbm4b:s10+s1], $0x300, $0x38;
	[tilespmem:$0x18A00] =	vst v63  }
0x20: {  	_ =	swait.ge [sflag:s9], $0x300  }
0x21: {  	[sflag:s9] =	ssyncset.done $0x0  }
0x22: {  	[sflag:s9] =	ssyncadd.s32 $0xFFFFFD00  }
0x23: {  	s12 =	simm.s32 $0x18700;
	s11 =	rddreg [dreg:$0x4]  }
0x24: {  	[tilespmem:s12], [sflag:$0x7] =	stream.linear.gather [hbm4b:s11+s1], $0x300, $0x38;
	[tilespmem:$0x18A00] =	vst v63  }
0x25: {  	_ =	swait.ge [sflag:s9], $0x300  }
0x26: {  	[sflag:s9] =	ssyncset.done $0x0  }
0x27: {  	s13 =	simm.s32 $0x4;
	[sflag:s9] =	ssyncadd.s32 $0xFFFFFD00  }
0x28: {  	_ =	swait.ge [sflag:s13], $0x100  }
0x29: {  	[sflag:s13] =	ssyncset.done $0x0  }
0x2a: {  	[sflag:s13] =	ssyncadd.s32 $0xFFFFFF00  }
0x2b: {  	v7 =	vld [tilespmem:$0x0];
	_ =	sdelay $0x4  }
0x2c: {  	v8 =	vshrl.u32 v7, $0x3  }
0x2d: {  	v8 =	vmul.u32 $0x30, v8  }
0x2e: {  	v7 =	vand.u32 $0x7, v7  }
0x2f: {  	v7 =	vor.u32 v7, v8  }
0x30: {  	v8 =	vperm.xlane v7, v0;
	_ =	sdelay $0x1  }
0x31: {  	v8 =	vadd.s32 v1, v8;
	_ =	sdelay $0x3  }
0x32: {  	s16 =	simm.s32 $0x100;
	v7 =	vperm.xlane v7, v2  }
0x33: {  	[tilespmem:s16], [sflag:$0x1] =	stream.indirect_vreg.gather [hbm4b:s2+s1], $0x80, v8, vm0, $0xb8;
	[tilespmem:$0x18A00] =	vst v63  }
0x34: {  	s17 =	simm.s32 $0x900;
	v7 =	vadd.s32 v1, v7  }
0x35: {  	[tilespmem:s17], [sflag:$0x1] =	stream.indirect_vreg.gather [hbm4b:s14+s1], $0x80, v8, vm0, $0xb8;
	[tilespmem:$0x18A00] =	vst v63  }
0x36: {  	s18 =	simm.s32 $0x1100  }
0x37: {  	[tilespmem:s18], [sflag:$0x1] =	stream.indirect_vreg.gather [hbm4b:s15+s1], $0x80, v8, vm0, $0xb8;
	[tilespmem:$0x18A00] =	vst v63  }
0x38: {  	s19 =	simm.s32 $0x1900  }
0x39: {  	[tilespmem:s19], [sflag:$0x1] =	stream.indirect_vreg.gather [hbm4b:s2+s1], $0x80, v7, vm0, $0xb8;
	[tilespmem:$0x18A00] =	vst v63  }
0x3a: {  	s20 =	simm.s32 $0x2100  }
0x3b: {  	[tilespmem:s20], [sflag:$0x1] =	stream.indirect_vreg.gather [hbm4b:s14+s1], $0x80, v7, vm0, $0xb8;
	[tilespmem:$0x18A00] =	vst v63  }
0x3c: {  	s21 =	simm.s32 $0x2900  }
0x3d: {  	[tilespmem:s21], [sflag:$0x1] =	stream.indirect_vreg.gather [hbm4b:s15+s1], $0x80, v7, vm0, $0xb8;
	[tilespmem:$0x18A00] =	vst v63  }
0x3e: {  	v7 =	vld [tilespmem:$0x10];
	_ =	sdelay $0x4  }
0x3f: {  	v8 =	vshrl.u32 v7, $0x3  }
0x40: {  	v8 =	vmul.u32 $0x30, v8  }
0x41: {  	v7 =	vand.u32 $0x7, v7  }
0x42: {  	v7 =	vor.u32 v7, v8  }
0x43: {  	v8 =	vperm.xlane v7, v0;
	_ =	sdelay $0x1  }
0x44: {  	v8 =	vadd.s32 v1, v8;
	_ =	sdelay $0x3  }
0x45: {  	s22 =	simm.s32 $0x3100;
	v7 =	vperm.xlane v7, v2  }
0x46: {  	[tilespmem:s22], [sflag:$0x2] =	stream.indirect_vreg.gather [hbm4b:s2+s1], $0x80, v8, vm0, $0xb8;
	[tilespmem:$0x18A00] =	vst v63  }
0x47: {  	s23 =	simm.s32 $0x3900;
	v7 =	vadd.s32 v1, v7  }
0x48: {  	[tilespmem:s23], [sflag:$0x2] =	stream.indirect_vreg.gather [hbm4b:s14+s1], $0x80, v8, vm0, $0xb8;
	[tilespmem:$0x18A00] =	vst v63  }
0x49: {  	s25 =	simm.s32 $0x4100  }
0x4a: {  	[tilespmem:s25], [sflag:$0x2] =	stream.indirect_vreg.gather [hbm4b:s15+s1], $0x80, v8, vm0, $0xb8;
	[tilespmem:$0x18A00] =	vst v63  }
0x4b: {  	s26 =	simm.s32 $0x4900  }
0x4c: {  	[tilespmem:s26], [sflag:$0x2] =	stream.indirect_vreg.gather [hbm4b:s2+s1], $0x80, v7, vm0, $0xb8;
	[tilespmem:$0x18A00] =	vst v63  }
0x4d: {  	s29 =	simm.s32 $0x5100  }
0x4e: {  	[tilespmem:s29], [sflag:$0x2] =	stream.indirect_vreg.gather [hbm4b:s14+s1], $0x80, v7, vm0, $0xb8;
	[tilespmem:$0x18A00] =	vst v63  }
0x4f: {  	s30 =	simm.s32 $0x5900;
	s31 =	simm.s32 $0x3  }
0x50: {  	[tilespmem:s30], [sflag:$0x2] =	stream.indirect_vreg.gather [hbm4b:s15+s1], $0x80, v7, vm0, $0xb8;
	[tilespmem:$0x18A00] =	vst v63  }
0x51: {  	_ =	swait.ge [sflag:s31], $0xC000  }
0x52: {  	[sflag:s31] =	ssyncset.done $0x0  }
0x53: {  	s28 =	simm.s32 $0x0;
	[sflag:s31] =	ssyncadd.s32 $0xFFFF4000  }
.LBB2_2:
0x54: {  	s29 =	sand.u32 $0x1, s28  }
0x55: {  	p0 =	seq.s32 s29, $0x1  }
.Ltmp0:
0x56: {  	_ = 	snop;
	(pc) =	sbr.rel @p0 .LBB2_4-.Ltmp0, $1  }
0x57: {  	_ =	sdelay $0x3  }
0x58: {  	p0 =	sgt.u32 s28, $0x1  }
.Ltmp1:
0x59: {  	_ = 	snop;
	(pc) =	sbr.rel @p0 .LBB2_5-.Ltmp1, $4  }
.Ltmp2:
0x5a: {  	s0 =	simm.s32 $0x1;
	(pc) =	sbr.rel @!p0 .LBB2_6-.Ltmp2, $4  }
0x5b: {  	_ =	swait.ge [sflag:s0], $0x3000  }
0x5c: {  	[sflag:s0] =	ssyncset.done $0x0  }
0x5d: {  	[sflag:s0] =	ssyncadd.s32 $0xFFFFD000;
	s0 =	simm.s32 $0x5  }
0x5e: {  	_ = 	snop  }
.LBB2_4:
0x5f: {  	p0 =	slt.u32 s28, $0x2  }
.Ltmp3:
0x60: {  	_ = 	snop;
	(pc) =	sbr.rel @p0 .LBB2_6-.Ltmp3, $4  }
0x61: {  	_ = 	snop  }
0x62: {  	_ =	swait.ge [sflag:s24], $0x3000  }
0x63: {  	[sflag:s24] =	ssyncset.done $0x0  }
0x64: {  	s0 =	simm.s32 $0x6;
	[sflag:s24] =	ssyncadd.s32 $0xFFFFD000  }
.LBB2_5:
0x65: {  	_ =	swait.ge [sflag:s0], $0x3000  }
0x66: {  	[sflag:s0] =	ssyncset.done $0x0  }
0x67: {  	[sflag:s0] =	ssyncadd.s32 $0xFFFFD000  }
.LBB2_6:
0x68: {  	s0 =	sshrl.u32 s28, $0x2;
	s3 =	sshll.u32 s28, $0x4;
	s31 =	sshll.u32 s29, $0x1  }
0x69: {  	p1 =	por $0x1, $0x1;
	s1 =	sshll.u32 s0, $0x6;
	s0 =	sshll.u32 s0, $0xB  }
0x6a: {  	s1 =	ssub.s32 s3, s1;
	s0 =	sor.u32 s7, s0;
	s3 =	simm.s32 $0x0  }
0x6b: {  	s30 =	sadd.s32 s1, s0;
	s4 =	sshrl.u32 s1, $0x3;
	s1 =	simm.s32 $0x0  }
.LBB2_7:
0x6c: {  	s0 =	sor.u32 s31, s3  }
0x6d: {  	s5 =	smul.u32 $0x6000, s0  }
0x6e: {  	s26 =	sor.u32 s4, s3  }
0x6f: {  	s3 =	smul.u32 $0x6000, s26;
	s5 =	sshra.s32 s5, $0x2  }
0x70: {  	s9 =	simm.s32 $0x0;
	s6 =	sand.u32 $0x1C00, s1;
	s5 =	sor.u32 $0x100, s5  }
0x71: {  	s8 =	sand.u32 $0x70, s9;
	s3 =	sshra.s32 s3, $0x2;
	s11 =	sadd.s32 s6, s5  }
0x72: {  	s10 =	sadd.s32 $0x6100, s3;
	s3 =	sadd.s32 s8, s11  }
0x73: {  	s6 =	sadd.s32 s6, s10;
	v7 =	vld [tilespmem:s3+$0x0]  }
0x74: {  	s6 =	sadd.s32 s8, s6;
	v9 =	vld [tilespmem:s3+$0x380]  }
0x75: {  	v10 =	vld [tilespmem:s6+$0x380]  }
0x76: {  	s11 =	simm.s32 $0x18100;
	v11 =	vld [tilespmem:s3+$0x80]  }
0x77: {  	v8 =	vld [tilespmem:s11+$0x0]  }
0x78: {  	v12 =	vld [tilespmem:s6+$0x0]  }
0x79: {  	v13 =	vld [tilespmem:s6+$0x80]  }
0x7a: {  	v19 =	vld [tilespmem:s3+$0x100]  }
0x7b: {  	v21 =	vld [tilespmem:s3+$0x180]  }
0x7c: {  	v20 =	vld [tilespmem:s3+$0x200]  }
0x7d: {  	v18 =	vimm.f32 $0.0e+00;
	v26 =	vimm.f32 $0.0e+00;
	v25 =	vimm.f32 $0.0e+00;
	v23 =	vld [tilespmem:s3+$0x280]  }
0x7e: {  	v29 =	vimm.f32 $0.0e+00;
	v22 =	vimm.f32 $0.0e+00;
	v15 =	vimm.f32 $0.0e+00;
	v35 =	vld [tilespmem:s6+$0x100]  }
0x7f: {  	v28 =	vimm.f32 $0.0e+00;
	v27 =	vimm.f32 $0.0e+00;
	v34 =	vld [tilespmem:s6+$0x180];
	v9 =	vadd.f32 v10, v9  }
0x80: {  	v16 =	vimm.f32 $0.0e+00;
	v33 =	vld [tilespmem:s6+$0x200];
	v17 =	vadd.f32 v12, v7;
	v36 =	vadd.f32 v13, v11  }
0x81: {  	v32 =	vld [tilespmem:s6+$0x280];
	v7 =	vimm.f32 $0.0e+00;
	v11 =	vimm.f32 $0.0e+00;
	v10 =	vadd.f32 v9, v8  }
0x82: {  	v31 =	vld [tilespmem:s6+$0x300];
	v13 =	vimm.f32 $0.0e+00;
	v12 =	vimm.f32 $0.0e+00;
	v9 =	vimm.f32 $0.0e+00  }
0x83: {  	p0 =	por p1, p1;
	s12 =	simm.s32 $0x80;
	v30 =	vld [tilespmem:s3+$0x300];
	v14 =	vadd.f32 v10, v18;
	v24 =	vmul.f32 v10, v10;
	[tilespmem:s3+$0x380] =	vst v10;
	v10 =	vimm.f32 $0.0e+00  }
.LBB2_8:
0x84: {  	s9 =	sadd.s32 $0x10, s9;
	s6 =	sand.u32 $0x1C00, s12;
	v17 =	vadd.f32 v17, v8;
	v19 =	vadd.f32 v35, v19  }
0x85: {  	s8 =	sand.u32 $0x70, s9;
	s13 =	sadd.s32 s6, s5;
	v35 =	vadd.f32 v36, v8;
	v21 =	vadd.f32 v34, v21  }
0x86: {  	s13 =	sadd.s32 s8, s13;
	v34 =	vadd.f32 v19, v8;
	v19 =	vadd.f32 v33, v20;
	[tilespmem:s3+$0x0] =	vst v17;
	v20 =	vmul.f32 v17, v17  }
0x87: {  	v36 =	vld [tilespmem:s13+$0x0];
	v33 =	vadd.f32 v21, v8;
	v21 =	vadd.f32 v32, v23;
	[tilespmem:s3+$0x80] =	vst v35;
	v23 =	vmul.f32 v35, v35  }
0x88: {  	v37 =	vld [tilespmem:s13+$0x80];
	v32 =	vadd.f32 v19, v8;
	v30 =	vadd.f32 v31, v30;
	[tilespmem:s3+$0x100] =	vst v34;
	v31 =	vmul.f32 v34, v34  }
0x89: {  	p1 =	slt.u32 s9, $0x2F0;
	v18 =	vadd.f32 v20, v18;
	v19 =	vld [tilespmem:s13+$0x100];
	v38 =	vadd.f32 v21, v8;
	[tilespmem:s3+$0x180] =	vst v33;
	v39 =	vmul.f32 v33, v33  }
0x8a: {  	v7 =	vadd.f32 v23, v7;
	v21 =	vld [tilespmem:s13+$0x180];
	v40 =	vadd.f32 v30, v8;
	[tilespmem:s3+$0x200] =	vst v32;
	v8 =	vmul.f32 v32, v32  }
0x8b: {  	v26 =	vadd.f32 v31, v26;
	v20 =	vld [tilespmem:s13+$0x200];
	[tilespmem:s3+$0x280] =	vst v38;
	v25 =	vadd.f32 v39, v25;
	v23 =	vmul.f32 v38, v38  }
0x8c: {  	s11 =	sadd.s32 $0x10, s11;
	s6 =	sadd.s32 s6, s10;
	v11 =	vadd.f32 v24, v11;
	v31 =	vld [tilespmem:s13+$0x380];
	[tilespmem:s3+$0x300] =	vst v40;
	v9 =	vadd.f32 v8, v9;
	v30 =	vmul.f32 v40, v40;
	s3 =	smov.u32 s13  }
0x8d: {  	s6 =	sadd.s32 s8, s6;
	v29 =	vadd.f32 v17, v29;
	v8 =	vld [tilespmem:s11+$0x0];
	v13 =	vadd.f32 v23, v13  }
0x8e: {  	v22 =	vadd.f32 v35, v22;
	v17 =	vld [tilespmem:s6+$0x380];
	v15 =	vadd.f32 v30, v15  }
0x8f: {  	v28 =	vadd.f32 v34, v28;
	v27 =	vadd.f32 v33, v27;
	v23 =	vld [tilespmem:s3+$0x280]  }
0x90: {  	v10 =	vadd.f32 v32, v10;
	v12 =	vadd.f32 v38, v12;
	v30 =	vld [tilespmem:s3+$0x300]  }
0x91: {  	v16 =	vadd.f32 v40, v16;
	v24 =	vld [tilespmem:s6+$0x0]  }
0x92: {  	v38 =	vld [tilespmem:s6+$0x80]  }
.Ltmp4:
0x93: {  	v35 =	vld [tilespmem:s6+$0x100];
	v17 =	vadd.f32 v17, v31;
	(pc) =	sbr.rel @p1 .LBB2_8-.Ltmp4, $4  }
0x94: {  	v34 =	vld [tilespmem:s6+$0x180]  }
0x95: {  	v33 =	vld [tilespmem:s6+$0x200];
	v39 =	vadd.f32 v17, v8  }
0x96: {  	v32 =	vld [tilespmem:s6+$0x280];
	v17 =	vadd.f32 v24, v36  }
0x97: {  	s12 =	sadd.s32 $0x80, s12;
	v31 =	vld [tilespmem:s6+$0x300];
	v36 =	vadd.f32 v38, v37;
	[tilespmem:s3+$0x380] =	vst v39;
	v14 =	vadd.f32 v39, v14;
	v24 =	vmul.f32 v39, v39  }
0x98: {  	v17 =	vadd.f32 v17, v8;
	_ =	sdelay $0x1  }
0x99: {  	v37 =	vmul.f32 v17, v17;
	v29 =	vadd.f32 v17, v29  }
0x9a: {  	v21 =	vadd.f32 v34, v21  }
0x9b: {  	v18 =	vadd.f32 v37, v18;
	v45 =	vperm.xlane v29, v3  }
0x9c: {  	v33 =	vadd.f32 v33, v20;
	v20 =	vadd.f32 v21, v8  }
0x9d: {  	v23 =	vadd.f32 v32, v23;
	v29 =	vadd.f32 v45, v29;
	v46 =	vperm.xlane v18, v3  }
0x9e: {  	v21 =	vadd.f32 v33, v8;
	v30 =	vadd.f32 v31, v30  }
0x9f: {  	v60 =	vmul.f32 v20, v20;
	v38 =	vperm.xlane v29, v4;
	v37 =	vadd.f32 v46, v18  }
0xa0: {  	v27 =	vadd.f32 v20, v27;
	v62 =	vmul.f32 v21, v21;
	v18 =	vadd.f32 v36, v8  }
0xa1: {  	v25 =	vadd.f32 v60, v25;
	v29 =	vadd.f32 v38, v29;
	v47 =	vperm.xlane v37, v4  }
0xa2: {  	v43 =	vperm.xlane v27, v3;
	v48 =	vmul.f32 v18, v18;
	v22 =	vadd.f32 v18, v22  }
0xa3: {  	v45 =	vperm.xlane v25, v3;
	v39 =	vperm.xlane v29, v5;
	v36 =	vadd.f32 v47, v37  }
0xa4: {  	v27 =	vadd.f32 v43, v27;
	v7 =	vadd.f32 v48, v7;
	v49 =	vperm.xlane v22, v3  }
0xa5: {  	v25 =	vadd.f32 v45, v25;
	v29 =	vadd.f32 v39, v29;
	v50 =	vperm.xlane v36, v5  }
0xa6: {  	v48 =	vperm.xlane v27, v4;
	v22 =	vadd.f32 v49, v22;
	v51 =	vperm.xlane v7, v3  }
0xa7: {  	v49 =	vperm.xlane v25, v4;
	v39 =	vperm.xlane v29, v6;
	v36 =	vadd.f32 v50, v36  }
0xa8: {  	v52 =	vperm.xlane v22, v4;
	v37 =	vadd.f32 v51, v7;
	v7 =	vadd.f32 v35, v19  }
0xa9: {  	v27 =	vadd.f32 v48, v27;
	v29 =	vadd.f32 v39, v29;
	v53 =	vperm.xlane v36, v6  }
0xaa: {  	v22 =	vadd.f32 v52, v22;
	v54 =	vperm.xlane v37, v4;
	v19 =	vadd.f32 v7, v8  }
0xab: {  	v25 =	vadd.f32 v49, v25;
	v7 =	vmul.f32 $1.302083370e-03, v29;
	v29 =	vadd.f32 v53, v36  }
0xac: {  	v55 =	vperm.xlane v22, v5;
	v34 =	vadd.f32 v54, v37;
	v59 =	vmul.f32 v19, v19  }
0xad: {  	v28 =	vadd.f32 v19, v28;
	v53 =	vperm.xlane v27, v5;
	v29 =	vmul.f32 $1.302083370e-03, v29  }
0xae: {  	v56 =	vmul.f32 v7, v7;
	v57 =	vadd.f32 v55, v22;
	v22 =	vperm.xlane v34, v5  }
0xaf: {  	v26 =	vadd.f32 v59, v26;
	v41 =	vperm.xlane v28, v3;
	v27 =	vadd.f32 v53, v27  }
0xb0: {  	v55 =	vperm.xlane v25, v5;
	v29 =	vsub.f32 v29, v56;
	v58 =	vadd.f32 v22, v34  }
0xb1: {  	v31 =	vperm.xlane v57, v6;
	v22 =	vadd.f32 v23, v8;
	v23 =	vadd.f32 v30, v8  }
0xb2: {  	v28 =	vadd.f32 v41, v28;
	v42 =	vperm.xlane v26, v3;
	v25 =	vadd.f32 v55, v25  }
0xb3: {  	v55 =	vperm.xlane v14, v3;
	v29 =	vadd.f32 $1.000000010e-10, v29;
	v31 =	vadd.f32 v31, v57  }
0xb4: {  	v61 =	vperm.xlane v58, v6;
	v44 =	vperm.xlane v28, v4;
	v26 =	vadd.f32 v42, v26  }
0xb5: {  	v34 =	vmul.f32 v23, v23;
	v57 =	vperm.xlane v27, v6;
	v8 =	vshrl.u32 v29, $0x1  }
0xb6: {  	v29 =	vmul.f32 $5.000000000e-01, v29;
	v28 =	vadd.f32 v44, v28;
	v47 =	vperm.xlane v26, v4  }
0xb7: {  	v30 =	vsub.s32 $0x5F3759DF, v8;
	v8 =	vmul.f32 $1.302083370e-03, v31;
	v31 =	vadd.f32 v61, v58  }
0xb8: {  	v32 =	vadd.f32 v62, v9;
	v63 =	vmul.f32 v30, v29;
	v38 =	vperm.xlane v28, v5  }
0xb9: {  	v16 =	vadd.f32 v23, v16;
	v31 =	vmul.f32 $1.302083370e-03, v31;
	v40 =	vmul.f32 v8, v8  }
0xba: {  	v15 =	vadd.f32 v34, v15;
	v26 =	vadd.f32 v47, v26;
	v33 =	vmul.f32 v30, v63  }
0xbb: {  	v35 =	vmul.f32 v22, v22;
	v28 =	vadd.f32 v38, v28;
	v31 =	vsub.f32 v31, v40  }
0xbc: {  	v27 =	vadd.f32 v57, v27;
	v51 =	vperm.xlane v26, v5;
	v33 =	vsub.f32 $1.500000000e+00, v33  }
0xbd: {  	v57 =	vperm.xlane v15, v3;
	v54 =	vperm.xlane v28, v6;
	v31 =	vadd.f32 $1.000000010e-10, v31  }
0xbe: {  	v63 =	vperm.xlane v32, v3;
	v26 =	vadd.f32 v51, v26;
	v30 =	vmul.f32 v30, v33  }
0xbf: {  	v28 =	vadd.f32 v54, v28;
	v46 =	vshrl.u32 v31, $0x1;
	v31 =	vmul.f32 $5.000000000e-01, v31  }
0xc0: {  	v56 =	vperm.xlane v26, v6;
	v54 =	vperm.xlane v16, v3;
	v33 =	vsub.s32 $0x5F3759DF, v46  }
0xc1: {  	v14 =	vadd.f32 v55, v14;
	v50 =	vmul.f32 v30, v29;
	v40 =	vmul.f32 v33, v31  }
0xc2: {  	v9 =	vmul.f32 $1.302083370e-03, v28;
	v26 =	vadd.f32 v56, v26;
	v28 =	vperm.xlane v25, v6  }
0xc3: {  	v16 =	vadd.f32 v54, v16;
	v39 =	vmul.f32 v50, v30;
	v52 =	vmul.f32 v33, v40  }
0xc4: {  	v25 =	vadd.f32 v28, v25;
	v28 =	vadd.f32 v21, v10;
	v10 =	vmul.f32 $1.302083370e-03, v27  }
0xc5: {  	v26 =	vmul.f32 $1.302083370e-03, v26;
	v60 =	vmul.f32 v9, v9;
	v37 =	vsub.f32 $1.500000000e+00, v52  }
0xc6: {  	v58 =	vsub.f32 $1.500000000e+00, v39;
	v25 =	vmul.f32 $1.302083370e-03, v25;
	v61 =	vmul.f32 v10, v10  }
0xc7: {  	v26 =	vsub.f32 v26, v60;
	v62 =	vperm.xlane v28, v3;
	v33 =	vmul.f32 v33, v37  }
0xc8: {  	v44 =	vadd.f32 v24, v11;
	v60 =	vperm.xlane v16, v4;
	v27 =	vmul.f32 v58, v30  }
0xc9: {  	v26 =	vadd.f32 $1.000000010e-10, v26;
	v40 =	vsub.f32 v25, v61;
	v59 =	vmul.f32 v33, v31  }
0xca: {  	v28 =	vadd.f32 v62, v28;
	v61 =	vperm.xlane v14, v4;
	v29 =	vmul.f32 v27, v29  }
0xcb: {  	v41 =	vshrl.u32 v26, $0x1;
	v25 =	vmul.f32 $5.000000000e-01, v26;
	v38 =	vmul.f32 v59, v33  }
0xcc: {  	v43 =	vperm.xlane v28, v4;
	v14 =	vadd.f32 v61, v14;
	v42 =	vsub.s32 $0x5F3759DF, v41  }
0xcd: {  	v26 =	vadd.f32 v63, v32;
	v11 =	vmul.f32 v42, v25;
	v30 =	vsub.f32 $1.500000000e+00, v38  }
0xce: {  	v28 =	vadd.f32 v43, v28;
	v29 =	vmul.f32 v29, v27;
	v43 =	vperm.xlane v14, v5  }
0xcf: {  	v11 =	vmul.f32 v42, v11;
	v30 =	vmul.f32 v30, v33;
	v33 =	vadd.f32 $1.000000010e-10, v40  }
0xd0: {  	v47 =	vadd.f32 v22, v12;
	v48 =	vperm.xlane v28, v5;
	v38 =	vperm.xlane v26, v4  }
0xd1: {  	v45 =	vshrl.u32 v33, $0x1;
	v24 =	vmul.f32 $5.000000000e-01, v33;
	v31 =	vmul.f32 v30, v31  }
0xd2: {  	v11 =	vsub.f32 $1.500000000e+00, v11;
	v28 =	vadd.f32 v48, v28;
	v46 =	vsub.s32 $0x5F3759DF, v45  }
0xd3: {  	v15 =	vadd.f32 v57, v15;
	v12 =	vmul.f32 v46, v24;
	v31 =	vmul.f32 v31, v30  }
0xd4: {  	v26 =	vadd.f32 v38, v26;
	v32 =	vmul.f32 v42, v11;
	v38 =	vperm.xlane v28, v6  }
0xd5: {  	v11 =	vsub.f32 $1.500000000e+00, v29;
	v12 =	vmul.f32 v46, v12;
	v31 =	vsub.f32 $1.500000000e+00, v31  }
0xd6: {  	v63 =	vperm.xlane v15, v4;
	v14 =	vadd.f32 v43, v14;
	v28 =	vadd.f32 v38, v28  }
0xd7: {  	v29 =	vsub.f32 $1.500000000e+00, v12;
	v12 =	vmul.f32 v11, v27;
	v11 =	vmul.f32 v31, v30  }
0xd8: {  	v30 =	vadd.f32 v35, v13;
	v13 =	vmul.f32 $1.302083370e-03, v28;
	v28 =	vperm.xlane v47, v3  }
0xd9: {  	v16 =	vadd.f32 v60, v16;
	v59 =	vperm.xlane v44, v3;
	v49 =	vperm.xlane v26, v5  }
0xda: {  	v48 =	vperm.xlane v14, v6;
	v53 =	vperm.xlane v30, v3;
	v28 =	vadd.f32 v28, v47  }
0xdb: {  	v42 =	vperm.xlane v16, v5;
	v33 =	vadd.f32 v59, v44;
	v26 =	vadd.f32 v49, v26  }
0xdc: {  	v50 =	vmul.f32 v32, v25;
	v30 =	vadd.f32 v53, v30;
	v56 =	vperm.xlane v28, v4  }
0xdd: {  	v15 =	vadd.f32 v63, v15;
	v41 =	vperm.xlane v33, v4;
	v51 =	vperm.xlane v26, v6  }
0xde: {  	v16 =	vadd.f32 v42, v16;
	v58 =	vperm.xlane v30, v4;
	v28 =	vadd.f32 v56, v28  }
0xdf: {  	v45 =	vperm.xlane v15, v5;
	v33 =	vadd.f32 v41, v33;
	v26 =	vadd.f32 v51, v26  }
0xe0: {  	v27 =	vmul.f32 v46, v29;
	v30 =	vadd.f32 v58, v30;
	v62 =	vperm.xlane v28, v5  }
0xe1: {  	v49 =	vadd.f32 v48, v14;
	v26 =	vmul.f32 $1.302083370e-03, v26;
	v52 =	vmul.f32 v13, v13  }
0xe2: {  	v46 =	vperm.xlane v33, v5;
	v40 =	vperm.xlane v30, v5;
	v28 =	vadd.f32 v62, v28  }
0xe3: {  	v36 =	vadd.f32 v45, v15;
	v47 =	vperm.xlane v16, v6;
	v31 =	vmul.f32 v27, v24  }
0xe4: {  	v26 =	vsub.f32 v26, v52;
	v30 =	vadd.f32 v40, v30;
	v44 =	vperm.xlane v28, v6  }
0xe5: {  	v29 =	vmul.f32 v50, v32;
	v33 =	vadd.f32 v46, v33;
	v16 =	vadd.f32 v47, v16  }
0xe6: {  	v31 =	vmul.f32 v31, v27;
	v37 =	vperm.xlane v30, v6;
	v28 =	vadd.f32 v44, v28  }
0xe7: {  	v29 =	vsub.f32 $1.500000000e+00, v29;
	v50 =	vperm.xlane v33, v6;
	v14 =	vmul.f32 $1.302083370e-03, v16  }
0xe8: {  	v30 =	vadd.f32 v37, v30;
	v15 =	vmul.f32 $1.302083370e-03, v28;
	v28 =	vperm.xlane v36, v6  }
0xe9: {  	[tilespmem:s3+$0x0] =	vst v17;
	v16 =	vmul.f32 $1.302083370e-03, v49;
	v17 =	vmul.f32 v29, v32;
	v33 =	vadd.f32 v50, v33  }
0xea: {  	v30 =	vmul.f32 $1.302083370e-03, v30;
	v51 =	vmul.f32 v15, v15;
	v28 =	vadd.f32 v28, v36  }
0xeb: {  	v26 =	vadd.f32 $1.000000010e-10, v26;
	v53 =	vmul.f32 v16, v16;
	v33 =	vmul.f32 $1.302083370e-03, v33  }
0xec: {  	v52 =	vmul.f32 v14, v14;
	v30 =	vsub.f32 v30, v51;
	v28 =	vmul.f32 $1.302083370e-03, v28  }
0xed: {  	v54 =	vshrl.u32 v26, $0x1;
	v31 =	vsub.f32 $1.500000000e+00, v31;
	v33 =	vsub.f32 v33, v53  }
0xee: {  	v26 =	vmul.f32 $5.000000000e-01, v26;
	v30 =	vadd.f32 $1.000000010e-10, v30;
	v28 =	vsub.f32 v28, v52  }
0xef: {  	v55 =	vsub.s32 $0x5F3759DF, v54;
	v27 =	vmul.f32 v31, v27;
	v33 =	vadd.f32 $1.000000010e-10, v33  }
0xf0: {  	v56 =	vshrl.u32 v30, $0x1;
	v30 =	vmul.f32 $5.000000000e-01, v30;
	v28 =	vadd.f32 $1.000000010e-10, v28  }
0xf1: {  	[tilespmem:s3+$0x180] =	vst v20;
	v59 =	vshrl.u32 v33, $0x1;
	v36 =	vmul.f32 v55, v26;
	v35 =	vsub.s32 $0x5F3759DF, v56  }
0xf2: {  	[tilespmem:s3+$0x200] =	vst v21;
	v57 =	vmul.f32 v35, v30;
	v58 =	vshrl.u32 v28, $0x1;
	v28 =	vmul.f32 $5.000000000e-01, v28  }
0xf3: {  	s0 =	smul.u32 $0x1800, s0;
	s5 =	simm.s32 $0x0;
	s9 =	simm.s32 $0x0;
	[tilespmem:s3+$0x80] =	vst v18;
	v33 =	vmul.f32 $5.000000000e-01, v33;
	v36 =	vmul.f32 v55, v36;
	v38 =	vsub.s32 $0x5F3759DF, v58  }
0xf4: {  	s21 =	sand.u32 $0x1C00, s5;
	s16 =	sand.u32 $0x40, s9;
	[tilespmem:s3+$0x100] =	vst v19;
	v39 =	vsub.s32 $0x5F3759DF, v59;
	v60 =	vmul.f32 v38, v28;
	v37 =	vmul.f32 v35, v57  }
0xf5: {  	s11 =	sadd.s32 s0, s21;
	s23 =	sor.u32 $0x30, s16;
	[tilespmem:s3+$0x280] =	vst v22;
	v22 =	vmul.f32 v17, v25;
	v41 =	vmul.f32 v39, v33;
	v36 =	vsub.f32 $1.500000000e+00, v36  }
0xf6: {  	s5 =	sor.u32 s23, s11;
	[tilespmem:s3+$0x300] =	vst v23;
	v24 =	vmul.f32 v27, v24;
	v40 =	vmul.f32 v38, v60;
	v37 =	vsub.f32 $1.500000000e+00, v37  }
0xf7: {  	v43 =	vld [tilespmem:s5+$0x480];
	v41 =	vmul.f32 v39, v41;
	v29 =	vmul.f32 v55, v36  }
0xf8: {  	s3 =	sor.u32 s16, s11;
	v22 =	vmul.f32 v22, v17;
	v61 =	vsub.f32 $1.500000000e+00, v40;
	v31 =	vmul.f32 v35, v37  }
0xf9: {  	s6 =	sor.u32 $0x10, s16;
	v63 =	vld [tilespmem:s3+$0x400];
	v24 =	vmul.f32 v24, v27;
	v18 =	vsub.f32 $1.500000000e+00, v41;
	v19 =	vmul.f32 v29, v26  }
0xfa: {  	s17 =	sor.u32 s6, s11;
	v41 =	vld [tilespmem:s5+$0x200];
	v32 =	vmul.f32 v38, v61;
	v20 =	vmul.f32 v31, v30  }
0xfb: {  	v50 =	vld [tilespmem:s17+$0x380];
	v22 =	vsub.f32 $1.500000000e+00, v22;
	v62 =	vmul.f32 v39, v18;
	v18 =	vmul.f32 v19, v29  }
0xfc: {  	s25 =	sor.u32 s11, s9;
	v45 =	vld [tilespmem:s17+$0x280];
	v46 =	vsub.f32 v43, v16;
	v19 =	vmul.f32 v32, v28;
	v20 =	vmul.f32 v20, v31  }
0xfd: {  	s26 =	sor.u32 $0x20, s16;
	s10 =	sor.u32 $0x380, s25;
	v53 =	vld [tilespmem:s17+$0x480];
	v17 =	vmul.f32 v22, v17;
	v21 =	vmul.f32 v62, v33;
	v23 =	vsub.f32 $1.500000000e+00, v18  }
0xfe: {  	s11 =	sor.u32 s26, s11;
	v47 =	vld [tilespmem:s10+$0x100];
	v24 =	vsub.f32 $1.500000000e+00, v24;
	v19 =	vmul.f32 v19, v32;
	v25 =	vsub.f32 $1.500000000e+00, v20  }
0xff: {  	v54 =	vld [tilespmem:s11+$0x100];
	v21 =	vmul.f32 v21, v62;
	v23 =	vmul.f32 v23, v29;
	v35 =	vsub.f32 v41, v9  }
0x100: {  	v55 =	vsub.f32 v50, v15;
	v56 =	vld [tilespmem:s11+$0x200];
	v19 =	vsub.f32 $1.500000000e+00, v19;
	v25 =	vmul.f32 v25, v31  }
0x101: {  	v21 =	vsub.f32 $1.500000000e+00, v21;
	v40 =	vld [tilespmem:s3+$0x180];
	v26 =	vmul.f32 v23, v26;
	v35 =	vmul.f32 v35, v17  }
0x102: {  	v39 =	vsub.f32 v53, v16;
	v60 =	vld [tilespmem:s5+$0x180];
	v31 =	vmul.f32 v19, v32;
	v19 =	vmul.f32 v25, v30  }
0x103: {  	v37 =	vsub.f32 v47, v16;
	v47 =	vld [tilespmem:s11+$0x380];
	v30 =	vmul.f32 v21, v62;
	v21 =	vmul.f32 v26, v23  }
0x104: {  	v44 =	vld [tilespmem:s3+$0x380];
	v41 =	vsub.f32 v54, v7;
	v26 =	vmul.f32 v31, v28;
	v19 =	vmul.f32 v19, v25  }
0x105: {  	v33 =	vmul.f32 v30, v33;
	v42 =	vsub.f32 $1.500000000e+00, v21;
	v21 =	vmul.f32 v24, v27;
	v27 =	vld [tilespmem:s3+$0x300]  }
0x106: {  	v29 =	vld [tilespmem:s3+$0x100];
	v41 =	vmul.f32 v41, v12;
	v34 =	vsub.f32 v40, v8;
	v40 =	vsub.f32 v56, v9  }
0x107: {  	v53 =	vld [tilespmem:s5+$0x280];
	v26 =	vmul.f32 v26, v31;
	v19 =	vsub.f32 $1.500000000e+00, v19;
	v22 =	vmul.f32 v33, v30  }
0x108: {  	s22 =	simm.s32 $0x18400;
	s13 =	sand.u32 $0x380, s9;
	v50 =	vld [tilespmem:s11+$0x480];
	v59 =	vsub.f32 v47, v15;
	v56 =	vsub.f32 v60, v8;
	v24 =	vmul.f32 v42, v23  }
0x109: {  	s12 =	sor.u32 s13, s23;
	v20 =	vld [tilespmem:s22+$0x0];
	v23 =	vsub.f32 $1.500000000e+00, v26;
	v19 =	vmul.f32 v19, v25;
	v25 =	vsub.f32 $1.500000000e+00, v22  }
0x10a: {  	v40 =	vmul.f32 v40, v17;
	v28 =	vld [tilespmem:s12+$0x18400];
	v33 =	vsub.f32 v44, v15;
	v27 =	vsub.f32 v27, v13  }
0x10b: {  	v42 =	vld [tilespmem:s11+$0x180];
	v22 =	vmul.f32 v23, v31;
	v23 =	vsub.f32 v29, v7;
	v25 =	vmul.f32 v25, v30  }
0x10c: {  	v47 =	vsub.f32 v53, v10;
	v44 =	vld [tilespmem:s11+$0x280];
	v30 =	vmul.f32 v34, v11;
	v33 =	vmul.f32 v33, v19  }
0x10d: {  	v32 =	vsub.f32 v63, v14;
	v31 =	vld [tilespmem:s17+$0x300];
	v27 =	vmul.f32 v27, v24;
	v29 =	vmul.f32 v23, v12  }
0x10e: {  	v54 =	vld [tilespmem:s5+$0x300];
	v34 =	vsub.f32 v45, v10;
	v48 =	vmul.f32 v30, v20;
	v36 =	vmul.f32 v46, v25  }
0x10f: {  	s18 =	simm.s32 $0x18700;
	v51 =	vld [tilespmem:s17+$0x400];
	v62 =	vsub.f32 v50, v16;
	v49 =	vmul.f32 v32, v22;
	v30 =	vmul.f32 v35, v28  }
0x110: {  	s8 =	sor.u32 s13, s6;
	v18 =	vld [tilespmem:s18+$0x0];
	v42 =	vsub.f32 v42, v8;
	v33 =	vmul.f32 v33, v20;
	v34 =	vmul.f32 v34, v21  }
0x111: {  	v44 =	vsub.f32 v44, v10;
	v23 =	vld [tilespmem:s8+$0x18400];
	v39 =	vmul.f32 v39, v25;
	v62 =	vmul.f32 v62, v25  }
0x112: {  	v45 =	vld [tilespmem:s11+$0x300];
	v27 =	vmul.f32 v27, v20;
	v42 =	vmul.f32 v42, v11;
	v31 =	vsub.f32 v31, v13  }
0x113: {  	v54 =	vsub.f32 v54, v13;
	v63 =	vld [tilespmem:s5+$0x380];
	v44 =	vmul.f32 v44, v21;
	v32 =	vmul.f32 v36, v28  }
0x114: {  	s6 =	sor.u32 s13, s26;
	v35 =	vsub.f32 v51, v14;
	v51 =	vld [tilespmem:s5+$0x100];
	v52 =	vmul.f32 v49, v20;
	v31 =	vmul.f32 v31, v24  }
0x115: {  	v49 =	vld [tilespmem:s6+$0x18400];
	v43 =	vadd.f32 v27, v18;
	v27 =	vmul.f32 v37, v25;
	v37 =	vmul.f32 v55, v19  }
0x116: {  	v26 =	vld [tilespmem:s8+$0x18700];
	v38 =	vadd.f32 v48, v18;
	v46 =	vmul.f32 v31, v23;
	v31 =	vmul.f32 v35, v22  }
0x117: {  	v48 =	vld [tilespmem:s11+$0x400];
	v45 =	vsub.f32 v45, v13;
	v27 =	vmul.f32 v27, v20;
	v39 =	vmul.f32 v39, v23  }
0x118: {  	v36 =	vadd.f32 v52, v18;
	v52 =	vmul.f32 v34, v23;
	v57 =	vmul.f32 v31, v23;
	v31 =	vld [tilespmem:s6+$0x18700]  }
0x119: {  	v45 =	vmul.f32 v45, v24;
	[tilespmem:s3+$0x12300] =	vst v43;
	v43 =	vsub.f32 v63, v15;
	v63 =	vmul.f32 v56, v11  }
0x11a: {  	v51 =	vsub.f32 v51, v7;
	v35 =	vmul.f32 v37, v23;
	v41 =	vmul.f32 v41, v49  }
0x11b: {  	v27 =	vadd.f32 v27, v18;
	v58 =	vmul.f32 v40, v49;
	v42 =	vmul.f32 v42, v49  }
0x11c: {  	[tilespmem:s3+$0x12180] =	vst v38;
	v44 =	vmul.f32 v44, v49;
	v48 =	vsub.f32 v48, v14;
	v37 =	vadd.f32 v57, v26  }
0x11d: {  	v55 =	vld [tilespmem:s17+$0x100];
	[tilespmem:s3+$0x12400] =	vst v36;
	v40 =	vmul.f32 v59, v19;
	v36 =	vadd.f32 v39, v26;
	v41 =	vadd.f32 v41, v31  }
0x11e: {  	v39 =	vmul.f32 v45, v49;
	v61 =	vmul.f32 v48, v22;
	[tilespmem:s17+$0x12400] =	vst v37;
	v34 =	vadd.f32 v58, v31  }
0x11f: {  	v60 =	vld [tilespmem:s17+$0x180];
	v50 =	vadd.f32 v52, v26;
	v40 =	vmul.f32 v40, v49;
	v44 =	vadd.f32 v44, v31;
	[tilespmem:s11+$0x12100] =	vst v41  }
0x120: {  	v37 =	vmul.f32 v61, v49;
	v61 =	vmul.f32 v51, v12;
	v42 =	vadd.f32 v42, v31;
	[tilespmem:s11+$0x12200] =	vst v34;
	v34 =	vld [tilespmem:s12+$0x18700]  }
0x121: {  	v38 =	vld [tilespmem:s5+$0x400];
	v51 =	vadd.f32 v46, v26;
	v57 =	vadd.f32 v40, v31;
	v58 =	vmul.f32 v47, v21;
	[tilespmem:s11+$0x12280] =	vst v44  }
0x122: {  	v46 =	vld [tilespmem:s3+$0x280];
	v47 =	vsub.f32 v55, v7;
	v45 =	vmul.f32 v61, v28;
	v41 =	vadd.f32 v33, v18;
	[tilespmem:s11+$0x12180] =	vst v42  }
0x123: {  	v40 =	vld [tilespmem:s3+$0x200];
	v48 =	vadd.f32 v37, v31;
	v33 =	vmul.f32 v62, v49;
	v44 =	vmul.f32 v58, v28;
	[tilespmem:s11+$0x12380] =	vst v57  }
0x124: {  	s13 =	simm.s32 $0x18440;
	v37 =	vld [tilespmem:s17+$0x200];
	v49 =	vmul.f32 v54, v24;
	v42 =	vmul.f32 v63, v28;
	s12 =	simm.s32 $0x200;
	[tilespmem:s3+$0x12380] =	vst v41;
	v41 =	vsub.f32 v60, v8  }
.LBB2_10:
0x125: {  	s9 =	sadd.s32 $0x40, s9;
	s6 =	sand.u32 $0x1C00, s12;
	[tilespmem:s17+$0x12300] =	vst v51;
	v39 =	vadd.f32 v39, v31;
	v43 =	vmul.f32 v43, v19;
	v32 =	vadd.f32 v32, v34;
	s18 =	sadd.s32 $0x40, s18  }
0x126: {  	v52 =	vadd.f32 v35, v26;
	s8 =	sand.u32 $0x40, s9;
	v51 =	vld [tilespmem:s18+$0x0];
	s23 =	sadd.s32 s0, s6;
	s25 =	sand.u32 $0x380, s9;
	[tilespmem:s11+$0x12400] =	vst v48;
	v35 =	vadd.f32 v42, v34;
	v42 =	vmul.f32 v49, v28  }
0x127: {  	v47 =	vmul.f32 v47, v12;
	v45 =	vadd.f32 v45, v34;
	v48 =	vld [tilespmem:s13+$0x0];
	s22 =	sor.u32 s8, s23;
	s6 =	sor.u32 $0x10, s8;
	s16 =	sor.u32 $0x30, s8;
	[tilespmem:s17+$0x12280] =	vst v50;
	v43 =	vmul.f32 v43, v28  }
0x128: {  	v29 =	vmul.f32 v29, v20;
	v44 =	vadd.f32 v44, v34;
	s20 =	sor.u32 s23, s9;
	v46 =	vsub.f32 v46, v10;
	v49 =	vld [tilespmem:s22+$0x100];
	s26 =	sor.u32 s25, s6;
	s21 =	sor.u32 s16, s23;
	[tilespmem:s17+$0x12380] =	vst v52  }
0x129: {  	v38 =	vsub.f32 v38, v14;
	p1 =	slt.u32 s9, $0x2C0;
	s19 =	sor.u32 $0x20, s8;
	v47 =	vmul.f32 v47, v23;
	s16 =	sor.u32 s25, s16;
	v50 =	vld [tilespmem:s22+$0x400];
	v43 =	vadd.f32 v43, v34;
	[tilespmem:s5+$0x12100] =	vst v45  }
0x12a: {  	v30 =	vadd.f32 v30, v34;
	v29 =	vadd.f32 v29, v18;
	v46 =	vmul.f32 v46, v21;
	v45 =	vld [tilespmem:s22+$0x180];
	[tilespmem:s5+$0x12480] =	vst v32  }
0x12b: {  	v32 =	vsub.f32 v40, v9;
	v40 =	vadd.f32 v47, v26;
	v52 =	vld [tilespmem:s16+$0x18400];
	[tilespmem:s17+$0x12480] =	vst v36;
	v36 =	vmul.f32 v38, v22  }
0x12c: {  	v37 =	vsub.f32 v37, v9;
	v46 =	vmul.f32 v46, v20;
	v38 =	vld [tilespmem:s21+$0x200];
	[tilespmem:s3+$0x12100] =	vst v29;
	v29 =	vmul.f32 v41, v11  }
0x12d: {  	v42 =	vadd.f32 v42, v34;
	v32 =	vmul.f32 v32, v17;
	v41 =	vld [tilespmem:s21+$0x480];
	v28 =	vmul.f32 v36, v28;
	[tilespmem:s5+$0x12200] =	vst v30  }
0x12e: {  	v37 =	vmul.f32 v37, v17;
	s8 =	sor.u32 $0x380, s20;
	v36 =	vadd.f32 v46, v18;
	v30 =	vld [tilespmem:s22+$0x380];
	v29 =	vmul.f32 v29, v23;
	[tilespmem:s5+$0x12280] =	vst v44  }
0x12f: {  	s6 =	sor.u32 s6, s23;
	v20 =	vmul.f32 v32, v20;
	v44 =	vld [tilespmem:s22+$0x300];
	v45 =	vsub.f32 v45, v8;
	[tilespmem:s17+$0x12100] =	vst v40;
	v28 =	vadd.f32 v28, v34  }
0x130: {  	v32 =	vsub.f32 v49, v7;
	v23 =	vmul.f32 v37, v23;
	v34 =	vld [tilespmem:s26+$0x18700];
	v40 =	vadd.f32 v29, v26;
	[tilespmem:s5+$0x12300] =	vst v42  }
0x131: {  	v18 =	vadd.f32 v20, v18;
	v37 =	vmul.f32 v45, v11;
	v42 =	vld [tilespmem:s6+$0x300];
	v38 =	vsub.f32 v38, v9;
	[tilespmem:s3+$0x12280] =	vst v36  }
0x132: {  	v29 =	vmul.f32 v32, v12;
	v26 =	vadd.f32 v23, v26;
	v36 =	vld [tilespmem:s6+$0x280];
	v20 =	vsub.f32 v41, v16;
	[tilespmem:s11+$0x12300] =	vst v39  }
0x133: {  	v39 =	vld [tilespmem:s8+$0x100];
	v41 =	vsub.f32 v30, v15;
	v30 =	vsub.f32 v50, v14;
	v32 =	vmul.f32 v38, v17;
	[tilespmem:s5+$0x12400] =	vst v28  }
0x134: {  	v28 =	vmul.f32 v37, v48;
	v37 =	vsub.f32 v44, v13;
	v23 =	vld [tilespmem:s26+$0x18400];
	v45 =	vmul.f32 v20, v25;
	[tilespmem:s17+$0x12180] =	vst v40  }
0x135: {  	v44 =	vadd.f32 v33, v31;
	v38 =	vmul.f32 v30, v22;
	v40 =	vld [tilespmem:s6+$0x380];
	v30 =	vmul.f32 v32, v52;
	[tilespmem:s3+$0x12200] =	vst v18;
	s3 =	smov.u32 s22  }
0x136: {  	v28 =	vadd.f32 v28, v51;
	v31 =	vmul.f32 v37, v24;
	v33 =	vld [tilespmem:s6+$0x400];
	v32 =	vmul.f32 v45, v52;
	[tilespmem:s5+$0x12380] =	vst v43  }
0x137: {  	v18 =	vmovc v51;
	v37 =	vmul.f32 v41, v19;
	v20 =	vmov v48;
	v38 =	vmul.f32 v38, v48;
	v41 =	vld [tilespmem:s6+$0x480];
	[tilespmem:s11+$0x12480] =	vst v44;
	s11 =	sor.u32 s19, s23  }
0x138: {  	v36 =	vsub.f32 v36, v10;
	v31 =	vmul.f32 v31, v20;
	v39 =	vsub.f32 v39, v16;
	v43 =	vld [tilespmem:s11+$0x100];
	[tilespmem:s10+$0x12100] =	vst v27;
	s10 =	smov.u32 s8  }
0x139: {  	v37 =	vmul.f32 v37, v20;
	v27 =	vadd.f32 v38, v18;
	v38 =	vsub.f32 v42, v13;
	v42 =	vld [tilespmem:s11+$0x180];
	[tilespmem:s17+$0x12200] =	vst v26;
	s17 =	smov.u32 s6  }
0x13a: {  	v26 =	vadd.f32 v31, v18;
	v31 =	vmul.f32 v39, v25;
	v39 =	vsub.f32 v40, v15;
	v40 =	vld [tilespmem:s11+$0x200];
	[tilespmem:s5+$0x12180] =	vst v35;
	s5 =	smov.u32 s21  }
0x13b: {  	v36 =	vmul.f32 v36, v21;
	[tilespmem:s3+$0x12400] =	vst v27;
	v27 =	vmul.f32 v38, v24;
	v33 =	vsub.f32 v33, v14;
	v38 =	vld [tilespmem:s11+$0x280]  }
0x13c: {  	s6 =	sor.u32 s25, s19;
	v31 =	vmul.f32 v31, v20;
	[tilespmem:s3+$0x12300] =	vst v26;
	v47 =	vmul.f32 v39, v19;
	v35 =	vsub.f32 v41, v16;
	v39 =	vld [tilespmem:s11+$0x300]  }
0x13d: {  	[tilespmem:s3+$0x12180] =	vst v28;
	v41 =	vmul.f32 v27, v23;
	v33 =	vmul.f32 v33, v22;
	v44 =	vld [tilespmem:s6+$0x18400];
	v43 =	vsub.f32 v43, v7  }
0x13e: {  	v28 =	vmovc v52;
	v27 =	vadd.f32 v31, v18;
	v45 =	vmul.f32 v35, v25;
	v46 =	vld [tilespmem:s11+$0x380];
	v42 =	vsub.f32 v42, v8  }
0x13f: {  	v35 =	vmul.f32 v47, v23;
	v26 =	vmovc v34;
	v33 =	vmul.f32 v33, v23;
	v31 =	vld [tilespmem:s6+$0x18700];
	v40 =	vsub.f32 v40, v9  }
0x140: {  	v43 =	vmul.f32 v43, v12;
	v34 =	vld [tilespmem:s11+$0x400];
	v42 =	vmul.f32 v42, v11;
	v38 =	vsub.f32 v38, v10  }
0x141: {  	v45 =	vmul.f32 v45, v23;
	v33 =	vadd.f32 v33, v26;
	v47 =	vld [tilespmem:s11+$0x480];
	v40 =	vmul.f32 v40, v17  }
0x142: {  	v39 =	vsub.f32 v39, v13;
	v43 =	vmul.f32 v43, v44;
	v38 =	vmul.f32 v38, v21;
	v48 =	vld [tilespmem:s5+$0x100]  }
0x143: {  	v50 =	vmul.f32 v36, v23;
	[tilespmem:s17+$0x12400] =	vst v33;
	v33 =	vmul.f32 v40, v44;
	v36 =	vsub.f32 v46, v15;
	v40 =	vld [tilespmem:s5+$0x180]  }
0x144: {  	v42 =	vmul.f32 v42, v44;
	v43 =	vadd.f32 v43, v31;
	v38 =	vmul.f32 v38, v44;
	v46 =	vld [tilespmem:s5+$0x280]  }
0x145: {  	v39 =	vmul.f32 v39, v24;
	v33 =	vadd.f32 v33, v31;
	v34 =	vsub.f32 v34, v14;
	v49 =	vld [tilespmem:s5+$0x300]  }
0x146: {  	v42 =	vadd.f32 v42, v31;
	v52 =	vmul.f32 v36, v19;
	v51 =	vld [tilespmem:s17+$0x100];
	v38 =	vadd.f32 v38, v31;
	[tilespmem:s11+$0x12100] =	vst v43  }
0x147: {  	v43 =	vsub.f32 v47, v16;
	v34 =	vmul.f32 v34, v22;
	[tilespmem:s11+$0x12200] =	vst v33;
	v33 =	vld [tilespmem:s5+$0x380];
	v47 =	vsub.f32 v48, v7  }
0x148: {  	v36 =	vadd.f32 v45, v26;
	v39 =	vmul.f32 v39, v44;
	v45 =	vmul.f32 v52, v44;
	[tilespmem:s11+$0x12280] =	vst v38;
	v38 =	vld [tilespmem:s5+$0x400]  }
0x149: {  	v48 =	vmul.f32 v34, v44;
	[tilespmem:s11+$0x12180] =	vst v42;
	v34 =	vld [tilespmem:s16+$0x18700];
	v42 =	vsub.f32 v40, v8;
	v40 =	vsub.f32 v46, v10  }
0x14a: {  	v46 =	vadd.f32 v37, v18;
	v53 =	vadd.f32 v45, v31;
	v45 =	vmul.f32 v47, v12;
	v52 =	vld [tilespmem:s17+$0x180]  }
.Ltmp5:
0x14b: {  	v54 =	vmul.f32 v43, v25;
	v49 =	vsub.f32 v49, v13;
	v37 =	vld [tilespmem:s17+$0x200];
	v55 =	vmul.f32 v40, v21;
	(pc) =	sbr.rel @p1 .LBB2_10-.Ltmp5, $4  }
0x14c: {  	v48 =	vadd.f32 v48, v31;
	v45 =	vmul.f32 v45, v28;
	v40 =	vld [tilespmem:s3+$0x200];
	[tilespmem:s3+$0x12380] =	vst v46;
	v43 =	vsub.f32 v33, v15  }
0x14d: {  	v47 =	vsub.f32 v51, v7;
	v42 =	vmul.f32 v42, v11;
	v33 =	vmul.f32 v54, v44;
	v46 =	vld [tilespmem:s3+$0x280]  }
0x14e: {  	v51 =	vadd.f32 v41, v26;
	v49 =	vmul.f32 v49, v24;
	v44 =	vmul.f32 v55, v28;
	[tilespmem:s11+$0x12380] =	vst v53  }
0x14f: {  	s12 =	sadd.s32 $0x200, s12;
	s13 =	sadd.s32 $0x40, s13;
	v50 =	vadd.f32 v50, v26;
	v42 =	vmul.f32 v42, v28;
	v41 =	vsub.f32 v52, v8  }
0x150: {  	[tilespmem:s17+$0x12300] =	vst v51  }
0x151: {  	[tilespmem:s11+$0x12400] =	vst v48  }
0x152: {  	v7 =	vadd.f32 v35, v26;
	[tilespmem:s17+$0x12480] =	vst v36  }
0x153: {  	v8 =	vadd.f32 v45, v34;
	[tilespmem:s17+$0x12280] =	vst v50  }
0x154: {  	v13 =	vadd.f32 v32, v34;
	[tilespmem:s17+$0x12380] =	vst v7  }
0x155: {  	v12 =	vmul.f32 v47, v12;
	v52 =	vsub.f32 v38, v14;
	v53 =	vadd.f32 v30, v34;
	[tilespmem:s5+$0x12100] =	vst v8  }
0x156: {  	v15 =	vmul.f32 v29, v20;
	v55 =	vadd.f32 v44, v34;
	v7 =	vsub.f32 v46, v10;
	[tilespmem:s5+$0x12480] =	vst v13  }
0x157: {  	v54 =	vmul.f32 v49, v28;
	v63 =	vadd.f32 v33, v31;
	v8 =	vmul.f32 v12, v23;
	[tilespmem:s5+$0x12200] =	vst v53  }
0x158: {  	v59 =	vmul.f32 v43, v19;
	v51 =	vadd.f32 v15, v18;
	[tilespmem:s5+$0x12280] =	vst v55;
	v7 =	vmul.f32 v7, v21  }
0x159: {  	v16 =	vsub.f32 v40, v9;
	v11 =	vmul.f32 v41, v11;
	[tilespmem:s11+$0x12480] =	vst v63;
	v8 =	vadd.f32 v8, v26  }
0x15a: {  	v56 =	vmul.f32 v52, v22;
	v57 =	vadd.f32 v54, v34;
	[tilespmem:s3+$0x12100] =	vst v51;
	v7 =	vmul.f32 v7, v20  }
0x15b: {  	v58 =	vmul.f32 v16, v17;
	v11 =	vmul.f32 v11, v23;
	[tilespmem:s17+$0x12100] =	vst v8;
	v8 =	vadd.f32 v39, v31  }
0x15c: {  	v60 =	vsub.f32 v37, v9;
	v10 =	vmul.f32 v56, v28;
	[tilespmem:s5+$0x12300] =	vst v57;
	v7 =	vadd.f32 v7, v18  }
0x15d: {  	v61 =	vmul.f32 v58, v20;
	v11 =	vadd.f32 v11, v26;
	[tilespmem:s11+$0x12300] =	vst v8  }
0x15e: {  	v10 =	vadd.f32 v10, v34;
	v8 =	vmul.f32 v60, v17;
	[tilespmem:s3+$0x12280] =	vst v7;
	v7 =	vmul.f32 v59, v28  }
0x15f: {  	v62 =	vadd.f32 v61, v18;
	[tilespmem:s17+$0x12180] =	vst v11  }
0x160: {  	[tilespmem:s5+$0x12400] =	vst v10;
	v8 =	vmul.f32 v8, v23;
	v7 =	vadd.f32 v7, v34  }
.Ltmp6:
0x161: {  	[tilespmem:s3+$0x12200] =	vst v62;
	(pc) =	sbr.rel @p0 .LBB2_7-.Ltmp6, $4  }
0x162: {  	[tilespmem:s5+$0x12380] =	vst v7;
	v7 =	vadd.f32 v8, v26  }
0x163: {  	[tilespmem:s10+$0x12100] =	vst v27;
	v8 =	vadd.f32 v42, v34  }
0x164: {  	[tilespmem:s17+$0x12200] =	vst v7  }
0x165: {  	p1 =	por $0x0, $0x0;
	s3 =	simm.s32 $0x1;
	[tilespmem:s5+$0x12180] =	vst v8  }
0x166: {  	s0 =	sshrl.u32 s30, $0x3  }
0x167: {  	p0 =	sne.s32 s29, $0x0;
	s0 =	smul.u32 $0x300, s0  }
0x168: {  	s1 =	rddreg [dreg:$0x5];
	p1 =	sgt.u32 @p0 s28, $0xD;
	s3 =	simm.s32 @p0 $0x15100  }
0x169: {  	p1 =	por p1, !p0;
	s0 =	sadd.s32 s1, s0;
	s1 =	simm.s32 @p0 $0x0  }
0x16a: {  	[hbm4b:s0+s1] =	stream.linear.scatter @p0 [tilespmem:s3], [sflag:$0x6], $0x3000, $0x38;
	[tilespmem:$0x18A00] =	vst v63  }
0x16b: {  	s1 =	sshll.u32 @!p1 s28, $0x4  }
0x16c: {  	s1 =	sand.u32 @!p1 $0x3FFFFFF0, s1  }
0x16d: {  	v7 =	vld @!p1 [tilespmem:s1+$0x20];
	_ =	sdelay $0x4  }
0x16e: {  	v8 =	vshrl.u32 @!p1 v7, $0x3  }
0x16f: {  	v8 =	vmul.u32 @!p1 $0x30, v8  }
0x170: {  	v9 =	vlaneseq.u32 @!p1;
	v7 =	vand.u32 @!p1 $0x7, v7  }
0x171: {  	v10 =	vshrl.u32 @!p1 v9, $0x3;
	v7 =	vor.u32 @!p1 v7, v8;
	v8 =	vand.u32 @!p1 $0x7, v9  }
0x172: {  	v10 =	vmul.u32 @!p1 $0x8, v10;
	v8 =	vperm.xlane @!p1 v7, v8;
	_ =	sdelay $0x1  }
0x173: {  	v8 =	vadd.s32 @!p1 v10, v8;
	_ =	sdelay $0x2  }
0x174: {  	v9 =	vor.u32 @!p1 $0x8, v9  }
0x175: {  	vm1 =	vmmov @!p1 $0xffff;
	s3 =	simm.s32 @!p1 $0x3100;
	s1 =	simm.s32 @!p1 $0x0;
	v7 =	vperm.xlane @!p1 v7, v9  }
0x176: {  	[tilespmem:s3], [sflag:$0x2] =	stream.indirect_vreg.gather @!p1 [hbm4b:s2+s1], $0x80, v8, vm1, $0xb8;
	[tilespmem:$0x18A00] =	vst v63  }
0x177: {  	v7 =	vadd.s32 @!p1 v10, v7;
	s3 =	simm.s32 @!p1 $0x3900  }
0x178: {  	[tilespmem:s3], [sflag:$0x2] =	stream.indirect_vreg.gather @!p1 [hbm4b:s14+s1], $0x80, v8, vm1, $0xb8;
	[tilespmem:$0x18A00] =	vst v63  }
0x179: {  	s3 =	simm.s32 @!p1 $0x4100  }
0x17a: {  	[tilespmem:s3], [sflag:$0x2] =	stream.indirect_vreg.gather @!p1 [hbm4b:s15+s1], $0x80, v8, vm1, $0xb8;
	[tilespmem:$0x18A00] =	vst v63  }
0x17b: {  	s3 =	simm.s32 @!p1 $0x4900  }
0x17c: {  	[tilespmem:s3], [sflag:$0x2] =	stream.indirect_vreg.gather @!p1 [hbm4b:s2+s1], $0x80, v7, vm1, $0xb8;
	[tilespmem:$0x18A00] =	vst v63  }
0x17d: {  	s3 =	simm.s32 @!p1 $0x5100  }
0x17e: {  	[tilespmem:s3], [sflag:$0x2] =	stream.indirect_vreg.gather @!p1 [hbm4b:s14+s1], $0x80, v7, vm1, $0xb8;
	[tilespmem:$0x18A00] =	vst v63  }
0x17f: {  	s3 =	simm.s32 @!p1 $0x5900  }
0x180: {  	[tilespmem:s3], [sflag:$0x2] =	stream.indirect_vreg.gather @!p1 [hbm4b:s15+s1], $0x80, v7, vm1, $0xb8;
	[tilespmem:$0x18A00] =	vst v63  }
0x181: {  	p1 =	sgt.u32 @!p0 s28, $0xD;
	s1 =	simm.s32 @!p0 $0x0;
	s3 =	simm.s32 @!p0 $0x12100  }
0x182: {  	[hbm4b:s0+s1] =	stream.linear.scatter @!p0 [tilespmem:s3], [sflag:$0x5], $0x3000, $0x38;
	[tilespmem:$0x18A00] =	vst v63  }
0x183: {  	p0 =	por p1, p0  }
0x184: {  	s0 =	sshll.u32 @!p0 s28, $0x4  }
0x185: {  	s0 =	sand.u32 @!p0 $0x3FFFFFF0, s0  }
0x186: {  	v7 =	vld @!p0 [tilespmem:s0+$0x20];
	_ =	sdelay $0x4  }
0x187: {  	v8 =	vshrl.u32 @!p0 v7, $0x3  }
0x188: {  	v8 =	vmul.u32 @!p0 $0x30, v8  }
0x189: {  	v9 =	vlaneseq.u32 @!p0;
	v7 =	vand.u32 @!p0 $0x7, v7  }
0x18a: {  	v10 =	vshrl.u32 @!p0 v9, $0x3;
	v7 =	vor.u32 @!p0 v7, v8;
	v8 =	vand.u32 @!p0 $0x7, v9  }
0x18b: {  	v10 =	vmul.u32 @!p0 $0x8, v10;
	v8 =	vperm.xlane @!p0 v7, v8;
	_ =	sdelay $0x1  }
0x18c: {  	v8 =	vadd.s32 @!p0 v10, v8;
	_ =	sdelay $0x2  }
0x18d: {  	v9 =	vor.u32 @!p0 $0x8, v9  }
0x18e: {  	vm1 =	vmmov @!p0 $0xffff;
	s1 =	simm.s32 @!p0 $0x100;
	s0 =	simm.s32 @!p0 $0x0;
	v7 =	vperm.xlane @!p0 v7, v9  }
0x18f: {  	[tilespmem:s1], [sflag:$0x1] =	stream.indirect_vreg.gather @!p0 [hbm4b:s2+s0], $0x80, v8, vm1, $0xb8;
	[tilespmem:$0x18A00] =	vst v63  }
0x190: {  	v7 =	vadd.s32 @!p0 v10, v7;
	s1 =	simm.s32 @!p0 $0x900  }
0x191: {  	[tilespmem:s1], [sflag:$0x1] =	stream.indirect_vreg.gather @!p0 [hbm4b:s14+s0], $0x80, v8, vm1, $0xb8;
	[tilespmem:$0x18A00] =	vst v63  }
0x192: {  	s1 =	simm.s32 @!p0 $0x1100  }
0x193: {  	[tilespmem:s1], [sflag:$0x1] =	stream.indirect_vreg.gather @!p0 [hbm4b:s15+s0], $0x80, v8, vm1, $0xb8;
	[tilespmem:$0x18A00] =	vst v63  }
0x194: {  	s1 =	simm.s32 @!p0 $0x1900  }
0x195: {  	[tilespmem:s1], [sflag:$0x1] =	stream.indirect_vreg.gather @!p0 [hbm4b:s2+s0], $0x80, v7, vm1, $0xb8;
	[tilespmem:$0x18A00] =	vst v63  }
0x196: {  	s1 =	simm.s32 @!p0 $0x2100  }
0x197: {  	[tilespmem:s1], [sflag:$0x1] =	stream.indirect_vreg.gather @!p0 [hbm4b:s14+s0], $0x80, v7, vm1, $0xb8;
	[tilespmem:$0x18A00] =	vst v63  }
0x198: {  	s28 =	sadd.s32 $0x1, s28;
	s1 =	simm.s32 @!p0 $0x2900  }
0x199: {  	[tilespmem:s1], [sflag:$0x1] =	stream.indirect_vreg.gather @!p0 [hbm4b:s15+s0], $0x80, v7, vm1, $0xb8;
	[tilespmem:$0x18A00] =	vst v63  }
0x19a: {  	p0 =	sne.s32 s28, $0x10  }
.Ltmp7:
0x19b: {  	_ = 	snop;
	(pc) =	sbr.rel @p0 .LBB2_2-.Ltmp7, $1  }
0x19c: {  	_ =	sdelay $0x3  }
0x19d: {  	s0 =	simm.s32 $0x5  }
0x19e: {  	_ =	swait.ge [sflag:s0], $0x3000  }
0x19f: {  	[sflag:s0] =	ssyncset.done $0x0  }
0x1a0: {  	s1 =	simm.s32 $0x6;
	[sflag:s0] =	ssyncadd.s32 $0xFFFFD000  }
0x1a1: {  	_ =	swait.ge [sflag:s1], $0x3000  }
0x1a2: {  	s3 =	rddreg [dreg:$0xd]  }
0x1a3: {  	s31 =	rddreg [dreg:$0xc];
	s3 =	sadd.s32 $0x1, s3  }
0x1a4: {  	p0 =	sne.s32 s3, s31  }
.Ltmp8:
0x1a5: {  	_ = 	snop;
	(pc) =	sbr.rel @p0 .LBB2_1-.Ltmp8, $3  }
0x1a6: {  	_ =	sdelay $0x1  }
0x1a7: {  	[sflag:s1] =	ssyncset.done $0x0  }
0x1a8: {  	[sflag:s1] =	ssyncadd.s32 $0xFFFFD000  }
0x1a9: {  	_ =	sfence.sel $0x180000  }
0x1aa: {  	[bflag:$0x0] =	sbarrier.arrive $0xFFFF  }
0x1ab: {  	_ =	strace $0x90000047  }
0x1ac: {  	s0 =	stileid.u32;
	[bflag:$0x2] =	sbarrier.arrive $0xFFFF  }
0x1ad: {  	p0 =	sne.s32 s0, $0x0;
	s0 =	rddreg [dreg:$0x6]  }
0x1ae: {  	s0 =	sadd.s32 @!p0 $0x100000, s0  }
0x1af: {  	[sflag:s0] =	ssyncadd.tile.s32 @!p0 $0x1;
	_ =	shalt  }
.Lfunc_end2:
_tile_overlayer_lowered:
.L_overlay_start_2:
0x1b0: {  	(tag) =	ssettag $0x2  }
0x1b1: {  	s0 =	rddreg [dreg:$0x0];
	s2 =	stileid.u32  }
0x1b2: {  	s1 =	rddreg [dreg:$0x1];
	p0 =	sne.s32 s2, $0x0  }
0x1b3: {  	s3 =	rddreg [dreg:$0x2];
	[bflag:$0x3] =	sbarrier.arrive $0xFFFF;
	s2 =	simm.s32 @!p0 $0x1C07  }
0x1b4: {  	[timem:s3], [sflag:s2] =	dma.local @!p0 [hbm:s0], s1  }
0x1b5: {  	s0 =	simm.s32 @!p0 $0x7  }
0x1b6: {  	_ =	swait.ge @!p0 [sflag:s0], s1  }
0x1b7: {  	s1 =	ssub.s32 @!p0 $0x0, s1;
	[sflag:s0] =	ssyncset.done @!p0 $0x0  }
0x1b8: {  	[sflag:s0] =	ssyncadd.s32 @!p0 s1  }
0x1b9: {  	[bflag:$0x3] =	sbarrier.arrive $0xFFFF  }
0x1ba: {  	_ =	shalt  }

</sc_bundles>
